<compile_context>
chip_gen: v7x
topology: tpu7x:2x2x1
jax: 0.10.2.dev20260603
libtpu: 0.0.44.dev20260713+nightly
codegen_flags: <defaults>
</compile_context>

<pallas_src>
import functools

import jax
import jax.numpy as jnp
from jax import lax
from jax.experimental import pallas as pl
from jax.experimental.pallas import tpu as pltpu
from jax.experimental.pallas import tpu_sc as plsc

B, L = 16384, 50
N_ITEMS, D, G, N_CTX, N_ATTRS = 1000000, 64, 32, 8, 16
BL = B * L
WD = 2 * D

NC, NS = 2, 16
NW = NC * NS
ROWS_PER_W = BL // NW
CHUNK = 512
NSUB = CHUNK // 128
NITER = ROWS_PER_W // CHUNK


NSLAB = 2
LS = L // NSLAB
SROWS = BL // NSLAB
SROWS_PER_W = SROWS // NW
SNITER = SROWS_PER_W // CHUNK


def _sc_gather(table_p, x_flat):
    mesh = plsc.VectorSubcoreMesh(core_axis_name="c", subcore_axis_name="s")

    @functools.partial(
        pl.kernel,
        mesh=mesh,
        compiler_params=pltpu.CompilerParams(use_tc_tiling_on_sc=True),
        out_type=jax.ShapeDtypeStruct((SROWS, WD), jnp.float32),
        scratch_types=[
            pltpu.VMEM((CHUNK,), jnp.int32),
            pltpu.VMEM((CHUNK, WD), jnp.float32),
            pltpu.SemaphoreType.DMA,
        ],
    )
    def k(table_hbm, idx_hbm, z_hbm, idx_v, rows_v, gsem):
        wid = lax.axis_index("s") * NC + lax.axis_index("c")
        base = wid * SROWS_PER_W

        def step(g, carry):
            pltpu.sync_copy(idx_hbm.at[pl.ds(base + g * CHUNK, CHUNK)], idx_v)
            descs = []
            for j in range(NSUB):
                descs.append(
                    pltpu.async_copy(
                        table_hbm.at[idx_v.at[pl.ds(j * 128, 128)]],
                        rows_v.at[pl.ds(j * 128, 128)],
                        gsem,
                    )
                )
            for d in descs:
                d.wait()
            pltpu.sync_copy(rows_v, z_hbm.at[pl.ds(base + g * CHUNK, CHUNK)])
            return carry

        lax.fori_loop(0, SNITER, step, 0)

    return k(table_p, x_flat)


FB = 16384


def _fmt_body(tt_ref, o_ref):
    t = jnp.transpose(tt_ref[...])
    o_ref[...] = jnp.concatenate([t, jnp.zeros_like(t)], axis=1)


def _tc_format(tt):
    return pl.pallas_call(
        _fmt_body,
        grid=(pl.cdiv(N_ITEMS, FB),),
        in_specs=[pl.BlockSpec((D, FB), lambda i: (0, i))],
        out_specs=pl.BlockSpec((FB, WD), lambda i: (i, 0)),
        out_shape=jax.ShapeDtypeStruct((N_ITEMS, WD), jnp.float32),
    )(tt)


def _tc_body(z_ref, a_ref, c_ref, w2a_ref, w1a_ref, w1c_ref, w2b_ref,
             b1_ref, b2_ref, o_ref):
    zw = z_ref[0]
    at = a_ref[0]
    ct = c_ref[0]
    qt = (
        jnp.dot(w1a_ref[...], at, preferred_element_type=jnp.float32)
        + jnp.dot(w1c_ref[...], ct, preferred_element_type=jnp.float32)
        + b1_ref[...]
    )
    yt = lax.dot_general(
        w2a_ref[...], zw, (((1,), (1,)), ((), ())),
        preferred_element_type=jnp.float32,
    )
    o_ref[0] = (
        yt
        + jnp.dot(w2b_ref[...], qt, preferred_element_type=jnp.float32)
        + b2_ref[...]
    )


NB = 2
BB = B // NB


def _tc_slab(slab, z3, a_t, c_t, w2a, w1a, w1c, w2b, b1c, b2c, e_prev):
    body = _tc_body if e_prev is None else (
        lambda z, a_, c_, wa, w1a_, w1c_, wb, b1_, b2_, ep, o:
            _tc_body(z, a_, c_, wa, w1a_, w1c_, wb, b1_, b2_, o)
    )
    base = slab * LS
    in_specs = [
        pl.BlockSpec((1, BB, WD), lambda l, j: (l, j, 0)),
        pl.BlockSpec((1, N_ATTRS, BB), lambda l, j: (l + base, 0, j)),
        pl.BlockSpec((1, N_CTX, BB), lambda l, j: (l + base, 0, j)),
        pl.BlockSpec((D, WD), lambda l, j: (0, 0)),
        pl.BlockSpec((G, N_ATTRS), lambda l, j: (0, 0)),
        pl.BlockSpec((G, N_CTX), lambda l, j: (0, 0)),
        pl.BlockSpec((D, G), lambda l, j: (0, 0)),
        pl.BlockSpec((G, 1), lambda l, j: (0, 0)),
        pl.BlockSpec((D, 1), lambda l, j: (0, 0)),
    ]
    args = [z3, a_t, c_t, w2a, w1a, w1c, w2b, b1c, b2c]
    kwargs = {}
    if e_prev is not None:
        in_specs.append(pl.BlockSpec(memory_space=pl.ANY))
        args.append(e_prev)
        kwargs["input_output_aliases"] = {9: 0}
    return pl.pallas_call(
        body,
        grid=(LS, NB),
        in_specs=in_specs,
        out_specs=pl.BlockSpec((1, D, BB), lambda l, j: (l + base, 0, j)),
        out_shape=jax.ShapeDtypeStruct((L, D, B), jnp.float32),
        **kwargs,
    )(*args)


def kernel(x, a, c, table, W1, b1, W2, b2):
    x_flat = x.T.reshape(BL)
    table_p = _tc_format(table.T)

    a_t = jnp.transpose(a, (1, 2, 0))
    c_t = jnp.transpose(c, (1, 2, 0))

    w2a = jnp.pad(W2[:, :D] * (float(D) ** 0.5), ((0, 0), (0, WD - D)))
    w2b = W2[:, D:]
    w1a = W1[:, :N_ATTRS]
    w1c = W1[:, N_ATTRS:]
    b1c = b1.reshape(G, 1)
    b2c = b2.reshape(D, 1)

    e_t = None
    for s in range(NSLAB):
        z = _sc_gather(table_p, x_flat[s * SROWS:(s + 1) * SROWS])
        z3 = z.reshape(LS, B, WD)
        e_t = _tc_slab(s, z3, a_t, c_t, w2a, w1a, w1c, w2b, b1c, b2c, e_t)
    return jnp.transpose(e_t, (2, 0, 1))

# --- scband reference (transcript-rebuilt; emitter-appended) ---
"""Pipeline reference for scband-all-embedding-65300682769151 (READ-ONLY COPY).

The authoritative reference and input builder live on the scoring server;
editing this copy changes nothing except your own understanding.
"""

import jax, jax.numpy as jnp
import numpy as np

B, L = 16384, 50
N_ITEMS, D, G, N_CTX, N_ATTRS = 1000000, 64, 32, 8, 16


def setup_inputs(seed: int = 0) -> dict:
    key = jax.random.key(seed)
    k1, k2, k3, k4, k5, k6 = jax.random.split(key, 6)
    x = jax.random.randint(k1, (B, L), 0, N_ITEMS, dtype=jnp.int64 if jax.config.jax_enable_x64 else jnp.int32).astype(jnp.int32)
    a = jax.random.normal(k2, (B, L, N_ATTRS), dtype=jnp.float32)
    c = jax.random.normal(k3, (B, L, N_CTX), dtype=jnp.float32)
    # items_embed.weight: xavier_uniform_, then padding row 0 zeroed
    limit = float(np.sqrt(6.0 / (N_ITEMS + D)))
    table = jax.random.uniform(k4, (N_ITEMS, D), minval=-limit, maxval=limit, dtype=jnp.float32)
    table = table.at[0].set(0.0)
    # feats_embed: Linear(n_ctx + n_attrs -> g), weight ~ N(0, 0.01), bias zeros
    W1 = jax.random.normal(k5, (G, N_CTX + N_ATTRS), dtype=jnp.float32) * 0.01
    b1 = jnp.zeros((G,), dtype=jnp.float32)
    # joint_embed: Linear(g + d -> d), weight ~ N(0, 0.01), bias zeros
    W2 = jax.random.normal(k6, (D, G + D), dtype=jnp.float32) * 0.01
    b2 = jnp.zeros((D,), dtype=jnp.float32)
    return {"x": x, "a": a, "c": c, "table": table, "W1": W1, "b1": b1, "W2": W2, "b2": b2}


def reference(x, a, c, table, W1, b1, W2, b2):
    d = table.shape[1]
    # q = feats_embed(cat(a, c))
    q = jnp.concatenate((a, c), axis=-1) @ W1.T + b1
    # z = items_embed(x) * sqrt(d); padding_idx=0 -> row 0 is zero
    z = jnp.where((x == 0)[..., None], 0.0, jnp.take(table, x, axis=0)) * (float(d) ** 0.5)
    # e = joint_embed(cat(z, q))
    e = jnp.concatenate((z, q), axis=-1) @ W2.T + b2
    return e

if __name__ == "__main__":
    import jax
    _d = setup_inputs()
    print(jax.jit(kernel)(*tuple(_d.values())))

</pallas_src>

<mosaic_0001>
#map = affine_map<(d0, d1) -> (0, 0)>
#map1 = affine_map<(d0, d1) -> (0)>
module attributes {stable_mosaic.version = 14 : i64} {
  func.func @k(%arg0: i32, %arg1: i32, %arg2: memref<1000000x128xf32, #tpu.memory_space<hbm>>, %arg3: memref<409600xi32, #tpu.memory_space<hbm>>, %arg4: memref<409600x128xf32, #tpu.memory_space<hbm>>, %arg5: memref<512xi32, #tpu.memory_space<vmem>>, %arg6: memref<512x128xf32, #tpu.memory_space<vmem>>, %arg7: memref<!tpu.dma_semaphore, #tpu.memory_space<semaphore_mem>>) attributes {dimension_semantics = [#tpu.dimension_semantics<core_parallel>, #tpu.dimension_semantics<subcore_parallel>], iteration_bounds = array<i64: 2, 16>, scalar_prefetch = 0 : i64, scratch_operands = 3 : i64, tpu.core_type = #tpu.core_type<sc_vector_subcore>, window_params = [{transform_indices = #map}, {transform_indices = #map1}, {transform_indices = #map}]} {
    %mul3A = arith.constant 2 : i32
    %mul3A_0 = arith.muli %arg1, %mul3A : i32
    %add3A = arith.addi %mul3A_0, %arg0 : i32
    %mul3A_1 = arith.constant 12800 : i32
    %mul3A_2 = arith.muli %add3A, %mul3A_1 : i32
    %scan3A = arith.constant 0 : i32
    %scan3A_3 = arith.constant 0 : i32
    %scan3A_4 = arith.constant 25 : i32
    %scan3A_5 = arith.addi %scan3A_3, %scan3A_4 : i32
    %scan3A_6 = arith.constant 1 : i32
    scf.for %scan3A_8 = %scan3A_3 to %scan3A_5 step %scan3A_6  : i32 {
      %mul3A_9 = arith.constant 512 : i32
      %mul3A_10 = arith.muli %scan3A_8, %mul3A_9 : i32
      %add3A_11 = arith.addi %mul3A_2, %mul3A_10 : i32
      "tpu.region"() ({
        %run_scoped3A = tpu.sem_alloc : memref<!tpu.dma_semaphore, #tpu.memory_space<semaphore_mem>>
        %dma_start3A_77 = tpu.memref_slice %arg3[%add3A_11] : memref<409600xi32, #tpu.memory_space<hbm>> -> memref<512xi32, #tpu.memory_space<hbm>>
        %dma_start3A_78 = tpu.memref_slice %arg3[%add3A_11] : memref<409600xi32, #tpu.memory_space<hbm>> -> memref<512xi32, #tpu.memory_space<hbm>>
        tpu.enqueue_dma source(%dma_start3A_78 : memref<512xi32, #tpu.memory_space<hbm>>) target(%arg5 : memref<512xi32, #tpu.memory_space<vmem>>) target_semaphore(%run_scoped3A : memref<!tpu.dma_semaphore, #tpu.memory_space<semaphore_mem>>)
        %dma_wait3A_79 = tpu.memref_slice %arg3[%add3A_11] : memref<409600xi32, #tpu.memory_space<hbm>> -> memref<512xi32, #tpu.memory_space<hbm>>
        %dma_wait3A_80 = tpu.memref_slice %arg3[%add3A_11] : memref<409600xi32, #tpu.memory_space<hbm>> -> memref<512xi32, #tpu.memory_space<hbm>>
        tpu.wait_dma2 semaphore(%run_scoped3A : memref<!tpu.dma_semaphore, #tpu.memory_space<semaphore_mem>>) src(%dma_wait3A_80 : memref<512xi32, #tpu.memory_space<hbm>>) dst(%arg5 : memref<512xi32, #tpu.memory_space<vmem>>)
        tpu.yield
      }) : () -> ()
      %dma_start3A = arith.constant 0 : i32
      %dma_start3A_12 = arith.constant 0 : i32
      %dma_start3A_13 = tpu.memref_slice %arg6[%dma_start3A, %dma_start3A_12] : memref<512x128xf32, #tpu.memory_space<vmem>> -> memref<128x128xf32, #tpu.memory_space<vmem>>
      %dma_start3A_14 = arith.constant 0 : i32
      %dma_start3A_15 = tpu.memref_slice %arg5[%dma_start3A_14] : memref<512xi32, #tpu.memory_space<vmem>> -> memref<128xi32, #tpu.memory_space<vmem>>
      %dma_start3A_16 = arith.constant 0 : i32
      %dma_start3A_17 = arith.constant 0 : i32
      %dma_start3A_18 = tpu.memref_slice %arg2[%dma_start3A_16, %dma_start3A_17] : memref<1000000x128xf32, #tpu.memory_space<hbm>> -> memref<1000000x128xf32, #tpu.memory_space<hbm>>
      tpu.enqueue_indirect_dma source(%dma_start3A_18 : memref<1000000x128xf32, #tpu.memory_space<hbm>>) target(%dma_start3A_13 : memref<128x128xf32, #tpu.memory_space<vmem>>) offsets(%dma_start3A_15 : memref<128xi32, #tpu.memory_space<vmem>>) semaphore(%arg7 : memref<!tpu.dma_semaphore, #tpu.memory_space<semaphore_mem>>)
      %dma_start3A_19 = arith.constant 128 : i32
      %dma_start3A_20 = arith.constant 0 : i32
      %dma_start3A_21 = tpu.memref_slice %arg6[%dma_start3A_19, %dma_start3A_20] : memref<512x128xf32, #tpu.memory_space<vmem>> -> memref<128x128xf32, #tpu.memory_space<vmem>>
      %dma_start3A_22 = arith.constant 128 : i32
      %dma_start3A_23 = tpu.memref_slice %arg5[%dma_start3A_22] : memref<512xi32, #tpu.memory_space<vmem>> -> memref<128xi32, #tpu.memory_space<vmem>>
      %dma_start3A_24 = arith.constant 0 : i32
      %dma_start3A_25 = arith.constant 0 : i32
      %dma_start3A_26 = tpu.memref_slice %arg2[%dma_start3A_24, %dma_start3A_25] : memref<1000000x128xf32, #tpu.memory_space<hbm>> -> memref<1000000x128xf32, #tpu.memory_space<hbm>>
      tpu.enqueue_indirect_dma source(%dma_start3A_26 : memref<1000000x128xf32, #tpu.memory_space<hbm>>) target(%dma_start3A_21 : memref<128x128xf32, #tpu.memory_space<vmem>>) offsets(%dma_start3A_23 : memref<128xi32, #tpu.memory_space<vmem>>) semaphore(%arg7 : memref<!tpu.dma_semaphore, #tpu.memory_space<semaphore_mem>>)
      %dma_start3A_27 = arith.constant 256 : i32
      %dma_start3A_28 = arith.constant 0 : i32
      %dma_start3A_29 = tpu.memref_slice %arg6[%dma_start3A_27, %dma_start3A_28] : memref<512x128xf32, #tpu.memory_space<vmem>> -> memref<128x128xf32, #tpu.memory_space<vmem>>
      %dma_start3A_30 = arith.constant 256 : i32
      %dma_start3A_31 = tpu.memref_slice %arg5[%dma_start3A_30] : memref<512xi32, #tpu.memory_space<vmem>> -> memref<128xi32, #tpu.memory_space<vmem>>
      %dma_start3A_32 = arith.constant 0 : i32
      %dma_start3A_33 = arith.constant 0 : i32
      %dma_start3A_34 = tpu.memref_slice %arg2[%dma_start3A_32, %dma_start3A_33] : memref<1000000x128xf32, #tpu.memory_space<hbm>> -> memref<1000000x128xf32, #tpu.memory_space<hbm>>
      tpu.enqueue_indirect_dma source(%dma_start3A_34 : memref<1000000x128xf32, #tpu.memory_space<hbm>>) target(%dma_start3A_29 : memref<128x128xf32, #tpu.memory_space<vmem>>) offsets(%dma_start3A_31 : memref<128xi32, #tpu.memory_space<vmem>>) semaphore(%arg7 : memref<!tpu.dma_semaphore, #tpu.memory_space<semaphore_mem>>)
      %dma_start3A_35 = arith.constant 384 : i32
      %dma_start3A_36 = arith.constant 0 : i32
      %dma_start3A_37 = tpu.memref_slice %arg6[%dma_start3A_35, %dma_start3A_36] : memref<512x128xf32, #tpu.memory_space<vmem>> -> memref<128x128xf32, #tpu.memory_space<vmem>>
      %dma_start3A_38 = arith.constant 384 : i32
      %dma_start3A_39 = tpu.memref_slice %arg5[%dma_start3A_38] : memref<512xi32, #tpu.memory_space<vmem>> -> memref<128xi32, #tpu.memory_space<vmem>>
      %dma_start3A_40 = arith.constant 0 : i32
      %dma_start3A_41 = arith.constant 0 : i32
      %dma_start3A_42 = tpu.memref_slice %arg2[%dma_start3A_40, %dma_start3A_41] : memref<1000000x128xf32, #tpu.memory_space<hbm>> -> memref<1000000x128xf32, #tpu.memory_space<hbm>>
      tpu.enqueue_indirect_dma source(%dma_start3A_42 : memref<1000000x128xf32, #tpu.memory_space<hbm>>) target(%dma_start3A_37 : memref<128x128xf32, #tpu.memory_space<vmem>>) offsets(%dma_start3A_39 : memref<128xi32, #tpu.memory_space<vmem>>) semaphore(%arg7 : memref<!tpu.dma_semaphore, #tpu.memory_space<semaphore_mem>>)
      %dma_wait3A = arith.constant 0 : i32
      %dma_wait3A_43 = arith.constant 0 : i32
      %dma_wait3A_44 = tpu.memref_slice %arg6[%dma_wait3A, %dma_wait3A_43] : memref<512x128xf32, #tpu.memory_space<vmem>> -> memref<128x128xf32, #tpu.memory_space<vmem>>
      %dma_wait3A_45 = arith.constant 0 : i32
      %dma_wait3A_46 = tpu.memref_slice %arg5[%dma_wait3A_45] : memref<512xi32, #tpu.memory_space<vmem>> -> memref<128xi32, #tpu.memory_space<vmem>>
      %dma_wait3A_47 = arith.constant 0 : i32
      %dma_wait3A_48 = arith.constant 0 : i32
      %dma_wait3A_49 = tpu.memref_slice %arg2[%dma_wait3A_47, %dma_wait3A_48] : memref<1000000x128xf32, #tpu.memory_space<hbm>> -> memref<1000000x128xf32, #tpu.memory_space<hbm>>
      tpu.wait_indirect_dma semaphore(%arg7 : memref<!tpu.dma_semaphore, #tpu.memory_space<semaphore_mem>>) src(%dma_wait3A_49 : memref<1000000x128xf32, #tpu.memory_space<hbm>>) dst(%dma_wait3A_44 : memref<128x128xf32, #tpu.memory_space<vmem>>)
      %dma_wait3A_50 = arith.constant 128 : i32
      %dma_wait3A_51 = arith.constant 0 : i32
      %dma_wait3A_52 = tpu.memref_slice %arg6[%dma_wait3A_50, %dma_wait3A_51] : memref<512x128xf32, #tpu.memory_space<vmem>> -> memref<128x128xf32, #tpu.memory_space<vmem>>
      %dma_wait3A_53 = arith.constant 128 : i32
      %dma_wait3A_54 = tpu.memref_slice %arg5[%dma_wait3A_53] : memref<512xi32, #tpu.memory_space<vmem>> -> memref<128xi32, #tpu.memory_space<vmem>>
      %dma_wait3A_55 = arith.constant 0 : i32
      %dma_wait3A_56 = arith.constant 0 : i32
      %dma_wait3A_57 = tpu.memref_slice %arg2[%dma_wait3A_55, %dma_wait3A_56] : memref<1000000x128xf32, #tpu.memory_space<hbm>> -> memref<1000000x128xf32, #tpu.memory_space<hbm>>
      tpu.wait_indirect_dma semaphore(%arg7 : memref<!tpu.dma_semaphore, #tpu.memory_space<semaphore_mem>>) src(%dma_wait3A_57 : memref<1000000x128xf32, #tpu.memory_space<hbm>>) dst(%dma_wait3A_52 : memref<128x128xf32, #tpu.memory_space<vmem>>)
      %dma_wait3A_58 = arith.constant 256 : i32
      %dma_wait3A_59 = arith.constant 0 : i32
      %dma_wait3A_60 = tpu.memref_slice %arg6[%dma_wait3A_58, %dma_wait3A_59] : memref<512x128xf32, #tpu.memory_space<vmem>> -> memref<128x128xf32, #tpu.memory_space<vmem>>
      %dma_wait3A_61 = arith.constant 256 : i32
      %dma_wait3A_62 = tpu.memref_slice %arg5[%dma_wait3A_61] : memref<512xi32, #tpu.memory_space<vmem>> -> memref<128xi32, #tpu.memory_space<vmem>>
      %dma_wait3A_63 = arith.constant 0 : i32
      %dma_wait3A_64 = arith.constant 0 : i32
      %dma_wait3A_65 = tpu.memref_slice %arg2[%dma_wait3A_63, %dma_wait3A_64] : memref<1000000x128xf32, #tpu.memory_space<hbm>> -> memref<1000000x128xf32, #tpu.memory_space<hbm>>
      tpu.wait_indirect_dma semaphore(%arg7 : memref<!tpu.dma_semaphore, #tpu.memory_space<semaphore_mem>>) src(%dma_wait3A_65 : memref<1000000x128xf32, #tpu.memory_space<hbm>>) dst(%dma_wait3A_60 : memref<128x128xf32, #tpu.memory_space<vmem>>)
      %dma_wait3A_66 = arith.constant 384 : i32
      %dma_wait3A_67 = arith.constant 0 : i32
      %dma_wait3A_68 = tpu.memref_slice %arg6[%dma_wait3A_66, %dma_wait3A_67] : memref<512x128xf32, #tpu.memory_space<vmem>> -> memref<128x128xf32, #tpu.memory_space<vmem>>
      %dma_wait3A_69 = arith.constant 384 : i32
      %dma_wait3A_70 = tpu.memref_slice %arg5[%dma_wait3A_69] : memref<512xi32, #tpu.memory_space<vmem>> -> memref<128xi32, #tpu.memory_space<vmem>>
      %dma_wait3A_71 = arith.constant 0 : i32
      %dma_wait3A_72 = arith.constant 0 : i32
      %dma_wait3A_73 = tpu.memref_slice %arg2[%dma_wait3A_71, %dma_wait3A_72] : memref<1000000x128xf32, #tpu.memory_space<hbm>> -> memref<1000000x128xf32, #tpu.memory_space<hbm>>
      tpu.wait_indirect_dma semaphore(%arg7 : memref<!tpu.dma_semaphore, #tpu.memory_space<semaphore_mem>>) src(%dma_wait3A_73 : memref<1000000x128xf32, #tpu.memory_space<hbm>>) dst(%dma_wait3A_68 : memref<128x128xf32, #tpu.memory_space<vmem>>)
      %mul3A_74 = arith.constant 512 : i32
      %mul3A_75 = arith.muli %scan3A_8, %mul3A_74 : i32
      %add3A_76 = arith.addi %mul3A_2, %mul3A_75 : i32
      "tpu.region"() ({
        %run_scoped3A = tpu.sem_alloc : memref<!tpu.dma_semaphore, #tpu.memory_space<semaphore_mem>>
        %dma_start3A_77 = arith.constant 0 : i32
        %dma_start3A_78 = tpu.memref_slice %arg4[%add3A_76, %dma_start3A_77] : memref<409600x128xf32, #tpu.memory_space<hbm>> -> memref<512x128xf32, #tpu.memory_space<hbm>>
        %dma_start3A_79 = arith.constant 0 : i32
        %dma_start3A_80 = tpu.memref_slice %arg4[%add3A_76, %dma_start3A_79] : memref<409600x128xf32, #tpu.memory_space<hbm>> -> memref<512x128xf32, #tpu.memory_space<hbm>>
        tpu.enqueue_dma source(%arg6 : memref<512x128xf32, #tpu.memory_space<vmem>>) target(%dma_start3A_80 : memref<512x128xf32, #tpu.memory_space<hbm>>) target_semaphore(%run_scoped3A : memref<!tpu.dma_semaphore, #tpu.memory_space<semaphore_mem>>)
        %dma_wait3A_81 = arith.constant 0 : i32
        %dma_wait3A_82 = tpu.memref_slice %arg4[%add3A_76, %dma_wait3A_81] : memref<409600x128xf32, #tpu.memory_space<hbm>> -> memref<512x128xf32, #tpu.memory_space<hbm>>
        %dma_wait3A_83 = arith.constant 0 : i32
        %dma_wait3A_84 = tpu.memref_slice %arg4[%add3A_76, %dma_wait3A_83] : memref<409600x128xf32, #tpu.memory_space<hbm>> -> memref<512x128xf32, #tpu.memory_space<hbm>>
        tpu.wait_dma2 semaphore(%run_scoped3A : memref<!tpu.dma_semaphore, #tpu.memory_space<semaphore_mem>>) src(%arg6 : memref<512x128xf32, #tpu.memory_space<vmem>>) dst(%dma_wait3A_84 : memref<512x128xf32, #tpu.memory_space<hbm>>)
        tpu.yield
      }) : () -> ()
    }
    %scan3A_7 = arith.constant 25 : i32
    return
  }
}

#map = affine_map<(d0, d1) -> (0, 0)>
#map1 = affine_map<(d0, d1) -> (0)>
module attributes {stable_mosaic.version = 14 : i64} {
  func.func @k(%arg0: i32, %arg1: i32, %arg2: memref<1000000x128xf32, #tpu.memory_space<hbm>>, %arg3: memref<409600xi32, #tpu.memory_space<hbm>>, %arg4: memref<409600x128xf32, #tpu.memory_space<hbm>>, %arg5: memref<512xi32, #tpu.memory_space<vmem>>, %arg6: memref<512x128xf32, #tpu.memory_space<vmem>>, %arg7: memref<!tpu.dma_semaphore, #tpu.memory_space<semaphore_mem>>) attributes {dimension_semantics = [#tpu.dimension_semantics<core_parallel>, #tpu.dimension_semantics<subcore_parallel>], iteration_bounds = array<i64: 2, 16>, scalar_prefetch = 0 : i64, scratch_operands = 3 : i64, tpu.core_type = #tpu.core_type<sc_vector_subcore>, window_params = [{transform_indices = #map}, {transform_indices = #map1}, {transform_indices = #map}]} {
    %mul3A = arith.constant 2 : i32
    %mul3A_0 = arith.muli %arg1, %mul3A : i32
    %add3A = arith.addi %mul3A_0, %arg0 : i32
    %mul3A_1 = arith.constant 12800 : i32
    %mul3A_2 = arith.muli %add3A, %mul3A_1 : i32
    %scan3A = arith.constant 0 : i32
    %scan3A_3 = arith.constant 0 : i32
    %scan3A_4 = arith.constant 25 : i32
    %scan3A_5 = arith.addi %scan3A_3, %scan3A_4 : i32
    %scan3A_6 = arith.constant 1 : i32
    scf.for %scan3A_8 = %scan3A_3 to %scan3A_5 step %scan3A_6  : i32 {
      %mul3A_9 = arith.constant 512 : i32
      %mul3A_10 = arith.muli %scan3A_8, %mul3A_9 : i32
      %add3A_11 = arith.addi %mul3A_2, %mul3A_10 : i32
      "tpu.region"() ({
        %run_scoped3A = tpu.sem_alloc : memref<!tpu.dma_semaphore, #tpu.memory_space<semaphore_mem>>
        %dma_start3A_77 = tpu.memref_slice %arg3[%add3A_11] : memref<409600xi32, #tpu.memory_space<hbm>> -> memref<512xi32, #tpu.memory_space<hbm>>
        %dma_start3A_78 = tpu.memref_slice %arg3[%add3A_11] : memref<409600xi32, #tpu.memory_space<hbm>> -> memref<512xi32, #tpu.memory_space<hbm>>
        tpu.enqueue_dma source(%dma_start3A_78 : memref<512xi32, #tpu.memory_space<hbm>>) target(%arg5 : memref<512xi32, #tpu.memory_space<vmem>>) target_semaphore(%run_scoped3A : memref<!tpu.dma_semaphore, #tpu.memory_space<semaphore_mem>>)
        %dma_wait3A_79 = tpu.memref_slice %arg3[%add3A_11] : memref<409600xi32, #tpu.memory_space<hbm>> -> memref<512xi32, #tpu.memory_space<hbm>>
        %dma_wait3A_80 = tpu.memref_slice %arg3[%add3A_11] : memref<409600xi32, #tpu.memory_space<hbm>> -> memref<512xi32, #tpu.memory_space<hbm>>
        tpu.wait_dma2 semaphore(%run_scoped3A : memref<!tpu.dma_semaphore, #tpu.memory_space<semaphore_mem>>) src(%dma_wait3A_80 : memref<512xi32, #tpu.memory_space<hbm>>) dst(%arg5 : memref<512xi32, #tpu.memory_space<vmem>>)
        tpu.yield
      }) : () -> ()
      %dma_start3A = arith.constant 0 : i32
      %dma_start3A_12 = arith.constant 0 : i32
      %dma_start3A_13 = tpu.memref_slice %arg6[%dma_start3A, %dma_start3A_12] : memref<512x128xf32, #tpu.memory_space<vmem>> -> memref<128x128xf32, #tpu.memory_space<vmem>>
      %dma_start3A_14 = arith.constant 0 : i32
      %dma_start3A_15 = tpu.memref_slice %arg5[%dma_start3A_14] : memref<512xi32, #tpu.memory_space<vmem>> -> memref<128xi32, #tpu.memory_space<vmem>>
      %dma_start3A_16 = arith.constant 0 : i32
      %dma_start3A_17 = arith.constant 0 : i32
      %dma_start3A_18 = tpu.memref_slice %arg2[%dma_start3A_16, %dma_start3A_17] : memref<1000000x128xf32, #tpu.memory_space<hbm>> -> memref<1000000x128xf32, #tpu.memory_space<hbm>>
      tpu.enqueue_indirect_dma source(%dma_start3A_18 : memref<1000000x128xf32, #tpu.memory_space<hbm>>) target(%dma_start3A_13 : memref<128x128xf32, #tpu.memory_space<vmem>>) offsets(%dma_start3A_15 : memref<128xi32, #tpu.memory_space<vmem>>) semaphore(%arg7 : memref<!tpu.dma_semaphore, #tpu.memory_space<semaphore_mem>>)
      %dma_start3A_19 = arith.constant 128 : i32
      %dma_start3A_20 = arith.constant 0 : i32
      %dma_start3A_21 = tpu.memref_slice %arg6[%dma_start3A_19, %dma_start3A_20] : memref<512x128xf32, #tpu.memory_space<vmem>> -> memref<128x128xf32, #tpu.memory_space<vmem>>
      %dma_start3A_22 = arith.constant 128 : i32
      %dma_start3A_23 = tpu.memref_slice %arg5[%dma_start3A_22] : memref<512xi32, #tpu.memory_space<vmem>> -> memref<128xi32, #tpu.memory_space<vmem>>
      %dma_start3A_24 = arith.constant 0 : i32
      %dma_start3A_25 = arith.constant 0 : i32
      %dma_start3A_26 = tpu.memref_slice %arg2[%dma_start3A_24, %dma_start3A_25] : memref<1000000x128xf32, #tpu.memory_space<hbm>> -> memref<1000000x128xf32, #tpu.memory_space<hbm>>
      tpu.enqueue_indirect_dma source(%dma_start3A_26 : memref<1000000x128xf32, #tpu.memory_space<hbm>>) target(%dma_start3A_21 : memref<128x128xf32, #tpu.memory_space<vmem>>) offsets(%dma_start3A_23 : memref<128xi32, #tpu.memory_space<vmem>>) semaphore(%arg7 : memref<!tpu.dma_semaphore, #tpu.memory_space<semaphore_mem>>)
      %dma_start3A_27 = arith.constant 256 : i32
      %dma_start3A_28 = arith.constant 0 : i32
      %dma_start3A_29 = tpu.memref_slice %arg6[%dma_start3A_27, %dma_start3A_28] : memref<512x128xf32, #tpu.memory_space<vmem>> -> memref<128x128xf32, #tpu.memory_space<vmem>>
      %dma_start3A_30 = arith.constant 256 : i32
      %dma_start3A_31 = tpu.memref_slice %arg5[%dma_start3A_30] : memref<512xi32, #tpu.memory_space<vmem>> -> memref<128xi32, #tpu.memory_space<vmem>>
      %dma_start3A_32 = arith.constant 0 : i32
      %dma_start3A_33 = arith.constant 0 : i32
      %dma_start3A_34 = tpu.memref_slice %arg2[%dma_start3A_32, %dma_start3A_33] : memref<1000000x128xf32, #tpu.memory_space<hbm>> -> memref<1000000x128xf32, #tpu.memory_space<hbm>>
      tpu.enqueue_indirect_dma source(%dma_start3A_34 : memref<1000000x128xf32, #tpu.memory_space<hbm>>) target(%dma_start3A_29 : memref<128x128xf32, #tpu.memory_space<vmem>>) offsets(%dma_start3A_31 : memref<128xi32, #tpu.memory_space<vmem>>) semaphore(%arg7 : memref<!tpu.dma_semaphore, #tpu.memory_space<semaphore_mem>>)
      %dma_start3A_35 = arith.constant 384 : i32
      %dma_start3A_36 = arith.constant 0 : i32
      %dma_start3A_37 = tpu.memref_slice %arg6[%dma_start3A_35, %dma_start3A_36] : memref<512x128xf32, #tpu.memory_space<vmem>> -> memref<128x128xf32, #tpu.memory_space<vmem>>
      %dma_start3A_38 = arith.constant 384 : i32
      %dma_start3A_39 = tpu.memref_slice %arg5[%dma_start3A_38] : memref<512xi32, #tpu.memory_space<vmem>> -> memref<128xi32, #tpu.memory_space<vmem>>
      %dma_start3A_40 = arith.constant 0 : i32
      %dma_start3A_41 = arith.constant 0 : i32
      %dma_start3A_42 = tpu.memref_slice %arg2[%dma_start3A_40, %dma_start3A_41] : memref<1000000x128xf32, #tpu.memory_space<hbm>> -> memref<1000000x128xf32, #tpu.memory_space<hbm>>
      tpu.enqueue_indirect_dma source(%dma_start3A_42 : memref<1000000x128xf32, #tpu.memory_space<hbm>>) target(%dma_start3A_37 : memref<128x128xf32, #tpu.memory_space<vmem>>) offsets(%dma_start3A_39 : memref<128xi32, #tpu.memory_space<vmem>>) semaphore(%arg7 : memref<!tpu.dma_semaphore, #tpu.memory_space<semaphore_mem>>)
      %dma_wait3A = arith.constant 0 : i32
      %dma_wait3A_43 = arith.constant 0 : i32
      %dma_wait3A_44 = tpu.memref_slice %arg6[%dma_wait3A, %dma_wait3A_43] : memref<512x128xf32, #tpu.memory_space<vmem>> -> memref<128x128xf32, #tpu.memory_space<vmem>>
      %dma_wait3A_45 = arith.constant 0 : i32
      %dma_wait3A_46 = tpu.memref_slice %arg5[%dma_wait3A_45] : memref<512xi32, #tpu.memory_space<vmem>> -> memref<128xi32, #tpu.memory_space<vmem>>
      %dma_wait3A_47 = arith.constant 0 : i32
      %dma_wait3A_48 = arith.constant 0 : i32
      %dma_wait3A_49 = tpu.memref_slice %arg2[%dma_wait3A_47, %dma_wait3A_48] : memref<1000000x128xf32, #tpu.memory_space<hbm>> -> memref<1000000x128xf32, #tpu.memory_space<hbm>>
      tpu.wait_indirect_dma semaphore(%arg7 : memref<!tpu.dma_semaphore, #tpu.memory_space<semaphore_mem>>) src(%dma_wait3A_49 : memref<1000000x128xf32, #tpu.memory_space<hbm>>) dst(%dma_wait3A_44 : memref<128x128xf32, #tpu.memory_space<vmem>>)
      %dma_wait3A_50 = arith.constant 128 : i32
      %dma_wait3A_51 = arith.constant 0 : i32
      %dma_wait3A_52 = tpu.memref_slice %arg6[%dma_wait3A_50, %dma_wait3A_51] : memref<512x128xf32, #tpu.memory_space<vmem>> -> memref<128x128xf32, #tpu.memory_space<vmem>>
      %dma_wait3A_53 = arith.constant 128 : i32
      %dma_wait3A_54 = tpu.memref_slice %arg5[%dma_wait3A_53] : memref<512xi32, #tpu.memory_space<vmem>> -> memref<128xi32, #tpu.memory_space<vmem>>
      %dma_wait3A_55 = arith.constant 0 : i32
      %dma_wait3A_56 = arith.constant 0 : i32
      %dma_wait3A_57 = tpu.memref_slice %arg2[%dma_wait3A_55, %dma_wait3A_56] : memref<1000000x128xf32, #tpu.memory_space<hbm>> -> memref<1000000x128xf32, #tpu.memory_space<hbm>>
      tpu.wait_indirect_dma semaphore(%arg7 : memref<!tpu.dma_semaphore, #tpu.memory_space<semaphore_mem>>) src(%dma_wait3A_57 : memref<1000000x128xf32, #tpu.memory_space<hbm>>) dst(%dma_wait3A_52 : memref<128x128xf32, #tpu.memory_space<vmem>>)
      %dma_wait3A_58 = arith.constant 256 : i32
      %dma_wait3A_59 = arith.constant 0 : i32
      %dma_wait3A_60 = tpu.memref_slice %arg6[%dma_wait3A_58, %dma_wait3A_59] : memref<512x128xf32, #tpu.memory_space<vmem>> -> memref<128x128xf32, #tpu.memory_space<vmem>>
      %dma_wait3A_61 = arith.constant 256 : i32
      %dma_wait3A_62 = tpu.memref_slice %arg5[%dma_wait3A_61] : memref<512xi32, #tpu.memory_space<vmem>> -> memref<128xi32, #tpu.memory_space<vmem>>
      %dma_wait3A_63 = arith.constant 0 : i32
      %dma_wait3A_64 = arith.constant 0 : i32
      %dma_wait3A_65 = tpu.memref_slice %arg2[%dma_wait3A_63, %dma_wait3A_64] : memref<1000000x128xf32, #tpu.memory_space<hbm>> -> memref<1000000x128xf32, #tpu.memory_space<hbm>>
      tpu.wait_indirect_dma semaphore(%arg7 : memref<!tpu.dma_semaphore, #tpu.memory_space<semaphore_mem>>) src(%dma_wait3A_65 : memref<1000000x128xf32, #tpu.memory_space<hbm>>) dst(%dma_wait3A_60 : memref<128x128xf32, #tpu.memory_space<vmem>>)
      %dma_wait3A_66 = arith.constant 384 : i32
      %dma_wait3A_67 = arith.constant 0 : i32
      %dma_wait3A_68 = tpu.memref_slice %arg6[%dma_wait3A_66, %dma_wait3A_67] : memref<512x128xf32, #tpu.memory_space<vmem>> -> memref<128x128xf32, #tpu.memory_space<vmem>>
      %dma_wait3A_69 = arith.constant 384 : i32
      %dma_wait3A_70 = tpu.memref_slice %arg5[%dma_wait3A_69] : memref<512xi32, #tpu.memory_space<vmem>> -> memref<128xi32, #tpu.memory_space<vmem>>
      %dma_wait3A_71 = arith.constant 0 : i32
      %dma_wait3A_72 = arith.constant 0 : i32
      %dma_wait3A_73 = tpu.memref_slice %arg2[%dma_wait3A_71, %dma_wait3A_72] : memref<1000000x128xf32, #tpu.memory_space<hbm>> -> memref<1000000x128xf32, #tpu.memory_space<hbm>>
      tpu.wait_indirect_dma semaphore(%arg7 : memref<!tpu.dma_semaphore, #tpu.memory_space<semaphore_mem>>) src(%dma_wait3A_73 : memref<1000000x128xf32, #tpu.memory_space<hbm>>) dst(%dma_wait3A_68 : memref<128x128xf32, #tpu.memory_space<vmem>>)
      %mul3A_74 = arith.constant 512 : i32
      %mul3A_75 = arith.muli %scan3A_8, %mul3A_74 : i32
      %add3A_76 = arith.addi %mul3A_2, %mul3A_75 : i32
      "tpu.region"() ({
        %run_scoped3A = tpu.sem_alloc : memref<!tpu.dma_semaphore, #tpu.memory_space<semaphore_mem>>
        %dma_start3A_77 = arith.constant 0 : i32
        %dma_start3A_78 = tpu.memref_slice %arg4[%add3A_76, %dma_start3A_77] : memref<409600x128xf32, #tpu.memory_space<hbm>> -> memref<512x128xf32, #tpu.memory_space<hbm>>
        %dma_start3A_79 = arith.constant 0 : i32
        %dma_start3A_80 = tpu.memref_slice %arg4[%add3A_76, %dma_start3A_79] : memref<409600x128xf32, #tpu.memory_space<hbm>> -> memref<512x128xf32, #tpu.memory_space<hbm>>
        tpu.enqueue_dma source(%arg6 : memref<512x128xf32, #tpu.memory_space<vmem>>) target(%dma_start3A_80 : memref<512x128xf32, #tpu.memory_space<hbm>>) target_semaphore(%run_scoped3A : memref<!tpu.dma_semaphore, #tpu.memory_space<semaphore_mem>>)
        %dma_wait3A_81 = arith.constant 0 : i32
        %dma_wait3A_82 = tpu.memref_slice %arg4[%add3A_76, %dma_wait3A_81] : memref<409600x128xf32, #tpu.memory_space<hbm>> -> memref<512x128xf32, #tpu.memory_space<hbm>>
        %dma_wait3A_83 = arith.constant 0 : i32
        %dma_wait3A_84 = tpu.memref_slice %arg4[%add3A_76, %dma_wait3A_83] : memref<409600x128xf32, #tpu.memory_space<hbm>> -> memref<512x128xf32, #tpu.memory_space<hbm>>
        tpu.wait_dma2 semaphore(%run_scoped3A : memref<!tpu.dma_semaphore, #tpu.memory_space<semaphore_mem>>) src(%arg6 : memref<512x128xf32, #tpu.memory_space<vmem>>) dst(%dma_wait3A_84 : memref<512x128xf32, #tpu.memory_space<hbm>>)
        tpu.yield
      }) : () -> ()
    }
    %scan3A_7 = arith.constant 25 : i32
    return
  }
}

module attributes {stable_mosaic.version = 14 : i64} {
  func.func @_fmt_body(%arg0: i32, %arg1: memref<64x16384xf32, #tpu.memory_space<vmem>>, %arg2: memref<16384x128xf32, #tpu.memory_space<vmem>>) attributes {dimension_semantics = [#tpu.dimension_semantics<arbitrary>], iteration_bounds = array<i64: 62>, scalar_prefetch = 0 : i64, scratch_operands = 0 : i64, tpu.core_type = #tpu.core_type<tc>, window_params = [{transform_indices = @transform_0, window_bounds = array<i64: 64, 16384>}, {transform_indices = @transform_1, window_bounds = array<i64: 16384, 128>}]} {
    %get3A = arith.constant 0 : index
    %get3A_0 = arith.constant 0 : index
    %get3A_1 = vector.load %arg1[%get3A, %get3A_0] : memref<64x16384xf32, #tpu.memory_space<vmem>>, vector<64x16384xf32>
    %transpose3A = tpu.transpose %get3A_1, [1, 0] : vector<64x16384xf32> -> vector<16384x64xf32>
    %broadcast_in_dim3A = arith.constant 0.000000e+00 : f32
    %broadcast_in_dim3A_2 = vector.broadcast %broadcast_in_dim3A : f32 to vector<16384x64xf32>
    %concatenate3A = tpu.concatenate %transpose3A, %broadcast_in_dim3A_2 in 1 : vector<16384x64xf32>, vector<16384x64xf32> -> vector<16384x128xf32>
    %swap3A = arith.constant 0 : index
    %swap3A_3 = arith.constant 0 : index
    %swap3A_4 = vector.load %arg2[%swap3A, %swap3A_3] : memref<16384x128xf32, #tpu.memory_space<vmem>>, vector<16384x128xf32>
    tpu.vector_store %arg2[%swap3A, %swap3A_3], %concatenate3A {strides = array<i32>} : memref<16384x128xf32, #tpu.memory_space<vmem>>, vector<16384x128xf32>,
    return
  }
  func.func @transform_0(%arg0: i32) -> (i32, i32) {
    %c0_i32 = arith.constant 0 : i32
    %c0_i32_0 = arith.constant 0 : i32
    return %c0_i32, %arg0 : i32, i32
  }
  func.func @transform_1(%arg0: i32) -> (i32, i32) {
    %c0_i32 = arith.constant 0 : i32
    %c0_i32_0 = arith.constant 0 : i32
    return %arg0, %c0_i32 : i32, i32
  }
}

module attributes {stable_mosaic.version = 14 : i64} {
  func.func @_tc_body(%arg0: i32, %arg1: i32, %arg2: memref<1x8192x128xf32, #tpu.memory_space<vmem>>, %arg3: memref<1x16x8192xf32, #tpu.memory_space<vmem>>, %arg4: memref<1x8x8192xf32, #tpu.memory_space<vmem>>, %arg5: memref<64x128xf32, #tpu.memory_space<vmem>>, %arg6: memref<32x16xf32, #tpu.memory_space<vmem>>, %arg7: memref<32x8xf32, #tpu.memory_space<vmem>>, %arg8: memref<64x32xf32, #tpu.memory_space<vmem>>, %arg9: memref<32x1xf32, #tpu.memory_space<vmem>>, %arg10: memref<64x1xf32, #tpu.memory_space<vmem>>, %arg11: memref<1x64x8192xf32, #tpu.memory_space<vmem>>) attributes {dimension_semantics = [#tpu.dimension_semantics<arbitrary>, #tpu.dimension_semantics<arbitrary>], iteration_bounds = array<i64: 25, 2>, scalar_prefetch = 0 : i64, scratch_operands = 0 : i64, tpu.core_type = #tpu.core_type<tc>, window_params = [{transform_indices = @transform_0, window_bounds = array<i64: 1, 8192, 128>}, {transform_indices = @transform_1, window_bounds = array<i64: 1, 16, 8192>}, {transform_indices = @transform_2, window_bounds = array<i64: 1, 8, 8192>}, {pipeline_mode = #tpu.pipeline_mode<synchronous>, transform_indices = @transform_3, window_bounds = array<i64: 64, 128>}, {pipeline_mode = #tpu.pipeline_mode<synchronous>, transform_indices = @transform_4, window_bounds = array<i64: 32, 16>}, {pipeline_mode = #tpu.pipeline_mode<synchronous>, transform_indices = @transform_5, window_bounds = array<i64: 32, 8>}, {pipeline_mode = #tpu.pipeline_mode<synchronous>, transform_indices = @transform_6, window_bounds = array<i64: 64, 32>}, {pipeline_mode = #tpu.pipeline_mode<synchronous>, transform_indices = @transform_7, window_bounds = array<i64: 32, 1>}, {pipeline_mode = #tpu.pipeline_mode<synchronous>, transform_indices = @transform_8, window_bounds = array<i64: 64, 1>}, {transform_indices = @transform_9, window_bounds = array<i64: 1, 64, 8192>}]} {
    %get3A = arith.constant 0 : index
    %get3A_0 = arith.constant 0 : index
    %get3A_1 = arith.constant 0 : index
    %get3A_2 = vector.load %arg2[%get3A, %get3A_0, %get3A_1] : memref<1x8192x128xf32, #tpu.memory_space<vmem>>, vector<1x8192x128xf32>
    %get3A_3 = vector.shape_cast %get3A_2 : vector<1x8192x128xf32> to vector<8192x128xf32>
    %get3A_4 = arith.constant 0 : index
    %get3A_5 = arith.constant 0 : index
    %get3A_6 = arith.constant 0 : index
    %get3A_7 = vector.load %arg3[%get3A_4, %get3A_5, %get3A_6] : memref<1x16x8192xf32, #tpu.memory_space<vmem>>, vector<1x16x8192xf32>
    %get3A_8 = vector.shape_cast %get3A_7 : vector<1x16x8192xf32> to vector<16x8192xf32>
    %get3A_9 = arith.constant 0 : index
    %get3A_10 = arith.constant 0 : index
    %get3A_11 = arith.constant 0 : index
    %get3A_12 = vector.load %arg4[%get3A_9, %get3A_10, %get3A_11] : memref<1x8x8192xf32, #tpu.memory_space<vmem>>, vector<1x8x8192xf32>
    %get3A_13 = vector.shape_cast %get3A_12 : vector<1x8x8192xf32> to vector<8x8192xf32>
    %get3A_14 = arith.constant 0 : index
    %get3A_15 = arith.constant 0 : index
    %get3A_16 = vector.load %arg6[%get3A_14, %get3A_15] : memref<32x16xf32, #tpu.memory_space<vmem>>, vector<32x16xf32>
    %dot_general3A = arith.constant dense<0.000000e+00> : vector<32x8192xf32>
    %dot_general3A_17 = tpu.matmul %get3A_16, %get3A_8, %dot_general3A {dimension_numbers = #tpu.dot_dimension_numbers<[1], [0], [0], [1], [0, 0, 1, 1], [], []>, transpose_lhs_hint = false} : vector<32x16xf32>, vector<16x8192xf32>, vector<32x8192xf32> -> vector<32x8192xf32>
    %get3A_18 = arith.constant 0 : index
    %get3A_19 = arith.constant 0 : index
    %get3A_20 = vector.load %arg7[%get3A_18, %get3A_19] : memref<32x8xf32, #tpu.memory_space<vmem>>, vector<32x8xf32>
    %dot_general3A_21 = arith.constant dense<0.000000e+00> : vector<32x8192xf32>
    %dot_general3A_22 = tpu.matmul %get3A_20, %get3A_13, %dot_general3A_21 {dimension_numbers = #tpu.dot_dimension_numbers<[1], [0], [0], [1], [0, 0, 1, 1], [], []>, transpose_lhs_hint = false} : vector<32x8xf32>, vector<8x8192xf32>, vector<32x8192xf32> -> vector<32x8192xf32>
    %add3A = arith.addf %dot_general3A_17, %dot_general3A_22 : vector<32x8192xf32>
    %get3A_23 = arith.constant 0 : index
    %get3A_24 = arith.constant 0 : index
    %get3A_25 = vector.load %arg9[%get3A_23, %get3A_24] : memref<32x1xf32, #tpu.memory_space<vmem>>, vector<32x1xf32>
    %add3A_26 = vector.broadcast %get3A_25 : vector<32x1xf32> to vector<32x8192xf32>
    %add3A_27 = arith.addf %add3A, %add3A_26 : vector<32x8192xf32>
    %get3A_28 = arith.constant 0 : index
    %get3A_29 = arith.constant 0 : index
    %get3A_30 = vector.load %arg5[%get3A_28, %get3A_29] : memref<64x128xf32, #tpu.memory_space<vmem>>, vector<64x128xf32>
    %dot_general3A_31 = arith.constant dense<0.000000e+00> : vector<64x8192xf32>
    %dot_general3A_32 = tpu.matmul %get3A_30, %get3A_3, %dot_general3A_31 {dimension_numbers = #tpu.dot_dimension_numbers<[1], [1], [0], [0], [0, 0, 1, 0], [], []>, transpose_lhs_hint = false} : vector<64x128xf32>, vector<8192x128xf32>, vector<64x8192xf32> -> vector<64x8192xf32>
    %get3A_33 = arith.constant 0 : index
    %get3A_34 = arith.constant 0 : index
    %get3A_35 = vector.load %arg8[%get3A_33, %get3A_34] : memref<64x32xf32, #tpu.memory_space<vmem>>, vector<64x32xf32>
    %dot_general3A_36 = arith.constant dense<0.000000e+00> : vector<64x8192xf32>
    %dot_general3A_37 = tpu.matmul %get3A_35, %add3A_27, %dot_general3A_36 {dimension_numbers = #tpu.dot_dimension_numbers<[1], [0], [0], [1], [0, 0, 1, 1], [], []>, transpose_lhs_hint = false} : vector<64x32xf32>, vector<32x8192xf32>, vector<64x8192xf32> -> vector<64x8192xf32>
    %add3A_38 = arith.addf %dot_general3A_32, %dot_general3A_37 : vector<64x8192xf32>
    %get3A_39 = arith.constant 0 : index
    %get3A_40 = arith.constant 0 : index
    %get3A_41 = vector.load %arg10[%get3A_39, %get3A_40] : memref<64x1xf32, #tpu.memory_space<vmem>>, vector<64x1xf32>
    %add3A_42 = vector.broadcast %get3A_41 : vector<64x1xf32> to vector<64x8192xf32>
    %add3A_43 = arith.addf %add3A_38, %add3A_42 : vector<64x8192xf32>
    %swap3A = arith.constant 0 : index
    %swap3A_44 = arith.constant 0 : index
    %swap3A_45 = arith.constant 0 : index
    %swap3A_46 = vector.load %arg11[%swap3A, %swap3A_44, %swap3A_45] : memref<1x64x8192xf32, #tpu.memory_space<vmem>>, vector<1x64x8192xf32>
    %swap3A_47 = vector.shape_cast %swap3A_46 : vector<1x64x8192xf32> to vector<64x8192xf32>
    %swap3A_48 = vector.shape_cast %add3A_43 : vector<64x8192xf32> to vector<1x64x8192xf32>
    tpu.vector_store %arg11[%swap3A, %swap3A_44, %swap3A_45], %swap3A_48 {strides = array<i32>} : memref<1x64x8192xf32, #tpu.memory_space<vmem>>, vector<1x64x8192xf32>,
    return
  }
  func.func @transform_0(%arg0: i32, %arg1: i32) -> (i32, i32, i32) {
    %c0_i32 = arith.constant 0 : i32
    %c0_i32_0 = arith.constant 0 : i32
    return %arg0, %arg1, %c0_i32 : i32, i32, i32
  }
  func.func @transform_1(%arg0: i32, %arg1: i32) -> (i32, i32, i32) {
    %add3A = arith.constant 0 : i32
    %add3A_0 = arith.addi %arg0, %add3A : i32
    %c0_i32 = arith.constant 0 : i32
    %c0_i32_1 = arith.constant 0 : i32
    return %add3A_0, %c0_i32, %arg1 : i32, i32, i32
  }
  func.func @transform_2(%arg0: i32, %arg1: i32) -> (i32, i32, i32) {
    %add3A = arith.constant 0 : i32
    %add3A_0 = arith.addi %arg0, %add3A : i32
    %c0_i32 = arith.constant 0 : i32
    %c0_i32_1 = arith.constant 0 : i32
    return %add3A_0, %c0_i32, %arg1 : i32, i32, i32
  }
  func.func @transform_3(%arg0: i32, %arg1: i32) -> (i32, i32) {
    %c0_i32 = arith.constant 0 : i32
    %c0_i32_0 = arith.constant 0 : i32
    %c0_i32_1 = arith.constant 0 : i32
    return %c0_i32, %c0_i32_0 : i32, i32
  }
  func.func @transform_4(%arg0: i32, %arg1: i32) -> (i32, i32) {
    %c0_i32 = arith.constant 0 : i32
    %c0_i32_0 = arith.constant 0 : i32
    %c0_i32_1 = arith.constant 0 : i32
    return %c0_i32, %c0_i32_0 : i32, i32
  }
  func.func @transform_5(%arg0: i32, %arg1: i32) -> (i32, i32) {
    %c0_i32 = arith.constant 0 : i32
    %c0_i32_0 = arith.constant 0 : i32
    %c0_i32_1 = arith.constant 0 : i32
    return %c0_i32, %c0_i32_0 : i32, i32
  }
  func.func @transform_6(%arg0: i32, %arg1: i32) -> (i32, i32) {
    %c0_i32 = arith.constant 0 : i32
    %c0_i32_0 = arith.constant 0 : i32
    %c0_i32_1 = arith.constant 0 : i32
    return %c0_i32, %c0_i32_0 : i32, i32
  }
  func.func @transform_7(%arg0: i32, %arg1: i32) -> (i32, i32) {
    %c0_i32 = arith.constant 0 : i32
    %c0_i32_0 = arith.constant 0 : i32
    %c0_i32_1 = arith.constant 0 : i32
    return %c0_i32, %c0_i32_0 : i32, i32
  }
  func.func @transform_8(%arg0: i32, %arg1: i32) -> (i32, i32) {
    %c0_i32 = arith.constant 0 : i32
    %c0_i32_0 = arith.constant 0 : i32
    %c0_i32_1 = arith.constant 0 : i32
    return %c0_i32, %c0_i32_0 : i32, i32
  }
  func.func @transform_9(%arg0: i32, %arg1: i32) -> (i32, i32, i32) {
    %add3A = arith.constant 0 : i32
    %add3A_0 = arith.addi %arg0, %add3A : i32
    %c0_i32 = arith.constant 0 : i32
    %c0_i32_1 = arith.constant 0 : i32
    return %add3A_0, %c0_i32, %arg1 : i32, i32, i32
  }
}

module attributes {stable_mosaic.version = 14 : i64} {
  func.func @_lambda_(%arg0: i32, %arg1: i32, %arg2: memref<1x8192x128xf32, #tpu.memory_space<vmem>>, %arg3: memref<1x16x8192xf32, #tpu.memory_space<vmem>>, %arg4: memref<1x8x8192xf32, #tpu.memory_space<vmem>>, %arg5: memref<64x128xf32, #tpu.memory_space<vmem>>, %arg6: memref<32x16xf32, #tpu.memory_space<vmem>>, %arg7: memref<32x8xf32, #tpu.memory_space<vmem>>, %arg8: memref<64x32xf32, #tpu.memory_space<vmem>>, %arg9: memref<32x1xf32, #tpu.memory_space<vmem>>, %arg10: memref<64x1xf32, #tpu.memory_space<vmem>>, %arg11: memref<50x64x16384xf32, #tpu.memory_space<any>>, %arg12: memref<1x64x8192xf32, #tpu.memory_space<vmem>>) attributes {dimension_semantics = [#tpu.dimension_semantics<arbitrary>, #tpu.dimension_semantics<arbitrary>], iteration_bounds = array<i64: 25, 2>, scalar_prefetch = 0 : i64, scratch_operands = 0 : i64, tpu.core_type = #tpu.core_type<tc>, window_params = [{transform_indices = @transform_0, window_bounds = array<i64: 1, 8192, 128>}, {transform_indices = @transform_1, window_bounds = array<i64: 1, 16, 8192>}, {transform_indices = @transform_2, window_bounds = array<i64: 1, 8, 8192>}, {pipeline_mode = #tpu.pipeline_mode<synchronous>, transform_indices = @transform_3, window_bounds = array<i64: 64, 128>}, {pipeline_mode = #tpu.pipeline_mode<synchronous>, transform_indices = @transform_4, window_bounds = array<i64: 32, 16>}, {pipeline_mode = #tpu.pipeline_mode<synchronous>, transform_indices = @transform_5, window_bounds = array<i64: 32, 8>}, {pipeline_mode = #tpu.pipeline_mode<synchronous>, transform_indices = @transform_6, window_bounds = array<i64: 64, 32>}, {pipeline_mode = #tpu.pipeline_mode<synchronous>, transform_indices = @transform_7, window_bounds = array<i64: 32, 1>}, {pipeline_mode = #tpu.pipeline_mode<synchronous>, transform_indices = @transform_8, window_bounds = array<i64: 64, 1>}, {}, {transform_indices = @transform_10, window_bounds = array<i64: 1, 64, 8192>}]} {
    %get3A = arith.constant 0 : index
    %get3A_0 = arith.constant 0 : index
    %get3A_1 = arith.constant 0 : index
    %get3A_2 = vector.load %arg2[%get3A, %get3A_0, %get3A_1] : memref<1x8192x128xf32, #tpu.memory_space<vmem>>, vector<1x8192x128xf32>
    %get3A_3 = vector.shape_cast %get3A_2 : vector<1x8192x128xf32> to vector<8192x128xf32>
    %get3A_4 = arith.constant 0 : index
    %get3A_5 = arith.constant 0 : index
    %get3A_6 = arith.constant 0 : index
    %get3A_7 = vector.load %arg3[%get3A_4, %get3A_5, %get3A_6] : memref<1x16x8192xf32, #tpu.memory_space<vmem>>, vector<1x16x8192xf32>
    %get3A_8 = vector.shape_cast %get3A_7 : vector<1x16x8192xf32> to vector<16x8192xf32>
    %get3A_9 = arith.constant 0 : index
    %get3A_10 = arith.constant 0 : index
    %get3A_11 = arith.constant 0 : index
    %get3A_12 = vector.load %arg4[%get3A_9, %get3A_10, %get3A_11] : memref<1x8x8192xf32, #tpu.memory_space<vmem>>, vector<1x8x8192xf32>
    %get3A_13 = vector.shape_cast %get3A_12 : vector<1x8x8192xf32> to vector<8x8192xf32>
    %get3A_14 = arith.constant 0 : index
    %get3A_15 = arith.constant 0 : index
    %get3A_16 = vector.load %arg6[%get3A_14, %get3A_15] : memref<32x16xf32, #tpu.memory_space<vmem>>, vector<32x16xf32>
    %dot_general3A = arith.constant dense<0.000000e+00> : vector<32x8192xf32>
    %dot_general3A_17 = tpu.matmul %get3A_16, %get3A_8, %dot_general3A {dimension_numbers = #tpu.dot_dimension_numbers<[1], [0], [0], [1], [0, 0, 1, 1], [], []>, transpose_lhs_hint = false} : vector<32x16xf32>, vector<16x8192xf32>, vector<32x8192xf32> -> vector<32x8192xf32>
    %get3A_18 = arith.constant 0 : index
    %get3A_19 = arith.constant 0 : index
    %get3A_20 = vector.load %arg7[%get3A_18, %get3A_19] : memref<32x8xf32, #tpu.memory_space<vmem>>, vector<32x8xf32>
    %dot_general3A_21 = arith.constant dense<0.000000e+00> : vector<32x8192xf32>
    %dot_general3A_22 = tpu.matmul %get3A_20, %get3A_13, %dot_general3A_21 {dimension_numbers = #tpu.dot_dimension_numbers<[1], [0], [0], [1], [0, 0, 1, 1], [], []>, transpose_lhs_hint = false} : vector<32x8xf32>, vector<8x8192xf32>, vector<32x8192xf32> -> vector<32x8192xf32>
    %add3A = arith.addf %dot_general3A_17, %dot_general3A_22 : vector<32x8192xf32>
    %get3A_23 = arith.constant 0 : index
    %get3A_24 = arith.constant 0 : index
    %get3A_25 = vector.load %arg9[%get3A_23, %get3A_24] : memref<32x1xf32, #tpu.memory_space<vmem>>, vector<32x1xf32>
    %add3A_26 = vector.broadcast %get3A_25 : vector<32x1xf32> to vector<32x8192xf32>
    %add3A_27 = arith.addf %add3A, %add3A_26 : vector<32x8192xf32>
    %get3A_28 = arith.constant 0 : index
    %get3A_29 = arith.constant 0 : index
    %get3A_30 = vector.load %arg5[%get3A_28, %get3A_29] : memref<64x128xf32, #tpu.memory_space<vmem>>, vector<64x128xf32>
    %dot_general3A_31 = arith.constant dense<0.000000e+00> : vector<64x8192xf32>
    %dot_general3A_32 = tpu.matmul %get3A_30, %get3A_3, %dot_general3A_31 {dimension_numbers = #tpu.dot_dimension_numbers<[1], [1], [0], [0], [0, 0, 1, 0], [], []>, transpose_lhs_hint = false} : vector<64x128xf32>, vector<8192x128xf32>, vector<64x8192xf32> -> vector<64x8192xf32>
    %get3A_33 = arith.constant 0 : index
    %get3A_34 = arith.constant 0 : index
    %get3A_35 = vector.load %arg8[%get3A_33, %get3A_34] : memref<64x32xf32, #tpu.memory_space<vmem>>, vector<64x32xf32>
    %dot_general3A_36 = arith.constant dense<0.000000e+00> : vector<64x8192xf32>
    %dot_general3A_37 = tpu.matmul %get3A_35, %add3A_27, %dot_general3A_36 {dimension_numbers = #tpu.dot_dimension_numbers<[1], [0], [0], [1], [0, 0, 1, 1], [], []>, transpose_lhs_hint = false} : vector<64x32xf32>, vector<32x8192xf32>, vector<64x8192xf32> -> vector<64x8192xf32>
    %add3A_38 = arith.addf %dot_general3A_32, %dot_general3A_37 : vector<64x8192xf32>
    %get3A_39 = arith.constant 0 : index
    %get3A_40 = arith.constant 0 : index
    %get3A_41 = vector.load %arg10[%get3A_39, %get3A_40] : memref<64x1xf32, #tpu.memory_space<vmem>>, vector<64x1xf32>
    %add3A_42 = vector.broadcast %get3A_41 : vector<64x1xf32> to vector<64x8192xf32>
    %add3A_43 = arith.addf %add3A_38, %add3A_42 : vector<64x8192xf32>
    %swap3A = arith.constant 0 : index
    %swap3A_44 = arith.constant 0 : index
    %swap3A_45 = arith.constant 0 : index
    %swap3A_46 = vector.load %arg12[%swap3A, %swap3A_44, %swap3A_45] : memref<1x64x8192xf32, #tpu.memory_space<vmem>>, vector<1x64x8192xf32>
    %swap3A_47 = vector.shape_cast %swap3A_46 : vector<1x64x8192xf32> to vector<64x8192xf32>
    %swap3A_48 = vector.shape_cast %add3A_43 : vector<64x8192xf32> to vector<1x64x8192xf32>
    tpu.vector_store %arg12[%swap3A, %swap3A_44, %swap3A_45], %swap3A_48 {strides = array<i32>} : memref<1x64x8192xf32, #tpu.memory_space<vmem>>, vector<1x64x8192xf32>,
    return
  }
  func.func @transform_0(%arg0: i32, %arg1: i32) -> (i32, i32, i32) {
    %c0_i32 = arith.constant 0 : i32
    %c0_i32_0 = arith.constant 0 : i32
    return %arg0, %arg1, %c0_i32 : i32, i32, i32
  }
  func.func @transform_1(%arg0: i32, %arg1: i32) -> (i32, i32, i32) {
    %add3A = arith.constant 25 : i32
    %add3A_0 = arith.addi %arg0, %add3A : i32
    %c0_i32 = arith.constant 0 : i32
    %c0_i32_1 = arith.constant 0 : i32
    return %add3A_0, %c0_i32, %arg1 : i32, i32, i32
  }
  func.func @transform_2(%arg0: i32, %arg1: i32) -> (i32, i32, i32) {
    %add3A = arith.constant 25 : i32
    %add3A_0 = arith.addi %arg0, %add3A : i32
    %c0_i32 = arith.constant 0 : i32
    %c0_i32_1 = arith.constant 0 : i32
    return %add3A_0, %c0_i32, %arg1 : i32, i32, i32
  }
  func.func @transform_3(%arg0: i32, %arg1: i32) -> (i32, i32) {
    %c0_i32 = arith.constant 0 : i32
    %c0_i32_0 = arith.constant 0 : i32
    %c0_i32_1 = arith.constant 0 : i32
    return %c0_i32, %c0_i32_0 : i32, i32
  }
  func.func @transform_4(%arg0: i32, %arg1: i32) -> (i32, i32) {
    %c0_i32 = arith.constant 0 : i32
    %c0_i32_0 = arith.constant 0 : i32
    %c0_i32_1 = arith.constant 0 : i32
    return %c0_i32, %c0_i32_0 : i32, i32
  }
  func.func @transform_5(%arg0: i32, %arg1: i32) -> (i32, i32) {
    %c0_i32 = arith.constant 0 : i32
    %c0_i32_0 = arith.constant 0 : i32
    %c0_i32_1 = arith.constant 0 : i32
    return %c0_i32, %c0_i32_0 : i32, i32
  }
  func.func @transform_6(%arg0: i32, %arg1: i32) -> (i32, i32) {
    %c0_i32 = arith.constant 0 : i32
    %c0_i32_0 = arith.constant 0 : i32
    %c0_i32_1 = arith.constant 0 : i32
    return %c0_i32, %c0_i32_0 : i32, i32
  }
  func.func @transform_7(%arg0: i32, %arg1: i32) -> (i32, i32) {
    %c0_i32 = arith.constant 0 : i32
    %c0_i32_0 = arith.constant 0 : i32
    %c0_i32_1 = arith.constant 0 : i32
    return %c0_i32, %c0_i32_0 : i32, i32
  }
  func.func @transform_8(%arg0: i32, %arg1: i32) -> (i32, i32) {
    %c0_i32 = arith.constant 0 : i32
    %c0_i32_0 = arith.constant 0 : i32
    %c0_i32_1 = arith.constant 0 : i32
    return %c0_i32, %c0_i32_0 : i32, i32
  }
  func.func @transform_10(%arg0: i32, %arg1: i32) -> (i32, i32, i32) {
    %add3A = arith.constant 25 : i32
    %add3A_0 = arith.addi %arg0, %add3A : i32
    %c0_i32 = arith.constant 0 : i32
    %c0_i32_1 = arith.constant 0 : i32
    return %add3A_0, %c0_i32, %arg1 : i32, i32, i32
  }
}

</mosaic_0001>

<sc_bundles>
// kernel: kernel.10.cloned.1.call-start
scs
__scs_entry_jumppad:
0x0: {  	(pc) =	sbr.rel $0x88, $3  }
0x1: {  	(tag) =	ssettag $0x0;
	lr =	simm.s32 $0x1  }
0x2: {  	[smem:$0x3F99] =	sst lr;
	_ =	strace $0xD0000000  }
0x3: {  	_ = 	snop  }
0x4: {  	_ = 	snop  }
0x5: {  	_ = 	snop  }
0x6: {  	_ = 	snop  }
0x7: {  	_ = 	snop  }
__scs_overlays_trampoline_lowered:
0x8: {  	[smem:$0x3FA8] =	sst s0  }
0x9: {  	[smem:$0x3FA9] =	sst s1  }
0xa: {  	[smem:$0x3FAA] =	sst s2  }
0xb: {  	[smem:$0x3FAB] =	sst s3  }
0xc: {  	[smem:$0x3FAC] =	sst s4  }
0xd: {  	[smem:$0x3FAD] =	sst s5  }
0xe: {  	[smem:$0x3FAE] =	sst s6  }
0xf: {  	[smem:$0x3FAF] =	sst s7  }
0x10: {  	[smem:$0x3FB0] =	sst s8  }
0x11: {  	[smem:$0x3FB1] =	sst s9;
	s0 =	simm.s32 @!p0 $0x0  }
0x12: {  	s1 =	sld [smem:$0x3F97];
	s0 =	simm.s32 @p0 $0x1  }
0x13: {  	[smem:$0x3FB2] =	sst s0;
	s0 =	simm.s32 @!p1 $0x0  }
0x14: {  	s2 =	sld [smem:$0x3F96];
	s0 =	simm.s32 @p1 $0x1  }
0x15: {  	[smem:$0x3FB3] =	sst s0;
	s0 =	simm.s32 @!p2 $0x0  }
0x16: {  	s3 =	sld [smem:$0x3FDB];
	s0 =	simm.s32 @p2 $0x1  }
0x17: {  	s4 =	simm.s32 $0x1BF5;
	[smem:$0x3FB5] =	sst s0  }
0x18: {  	s0 =	sld [smem:$0x3F98];
	_ =	swait.ge [sflag:s4], $0x0  }
0x19: {  	s7 =	sld [smem:$0x3F99]  }
0x1a: {  	s8 =	sadd.s32 $0xFFFFE003, lr  }
0x1b: {  	s9 =	sadd.s32 $0xFFFFFEF7, lr;
	s5 =	simm.s32 $0xFFFFFFFF;
	p2 =	slt.u32 s8, $0xFFFFF086  }
0x1c: {  	p1 =	slt.u32 s9, $0xF7A;
	s5 =	simm.s32 @!p2 $0x0  }
0x1d: {  	s5 =	simm.s32 @p1 $0x1;
	p0 =	seq.s32 s7, s2  }
0x1e: {  	s7 =	smul.u32 @!p0 $0xF7A, s2;
	p2 =	seq.s32 @!p0 s5, $0x0  }
0x1f: {  	s9 =	smul.u32 $0xF7A, s1;
	s8 =	simm.s32 @!p0 $0x1BF5;
	p2 =	por !p2, p0  }
0x20: {  	[sflag:s8] =	ssyncset.s32 @!p0 $0xFFFFF086;
	s6 =	sadd.s32 @!p0 s3, s7;
	s7 =	simm.s32 @!p0 $0x108  }
0x21: {  	s3 =	sadd.s32 s3, s9;
	s6 =	sadd.s32 @!p0 $0x88, s6;
	s7 =	simm.s32 @p2 $0x1082  }
0x22: {  	[simem:s7], [sflag:s8] =	dma.local @!p0 [hbm:s6], $0xF7A  }
0x23: {  	s9 =	sor.u32 $0xD0000000, s2;
	s6 =	simm.s32 $0x108;
	_ =	swait.ge @!p0 [sflag:s8], $0x0  }
0x24: {  	s3 =	sadd.s32 $0x88, s3;
	s6 =	simm.s32 @!p1 $0x1082;
	[sflag:s4] =	ssyncset.s32 $0xFFFFF086  }
0x25: {  	[simem:s6], [sflag:s4] =	dma.local [hbm:s3], $0xF7A  }
0x26: {  	[smem:$0x3F99] =	sst s1;
	(tag) =	ssettag s2;
	_ =	strace s9  }
0x27: {  	s1 =	sld [smem:$0x3FA9]  }
0x28: {  	s2 =	sld [smem:$0x3FAA]  }
0x29: {  	s4 =	sld [smem:$0x3FAC]  }
0x2a: {  	p0 =	seq.s32 s5, $0x0;
	s5 =	sld [smem:$0x3FAD]  }
0x2b: {  	s6 =	sld [smem:$0x3FAE]  }
0x2c: {  	s7 =	sld [smem:$0x3FAF]  }
0x2d: {  	s3 =	simm.s32 $0x108;
	s8 =	sld [smem:$0x3FB0]  }
0x2e: {  	s3 =	simm.s32 @!p0 $0x1082;
	s9 =	sld [smem:$0x3FB1]  }
0x2f: {  	lr =	sadd.s32 s0, s3;
	s0 =	sld [smem:$0x3FA8]  }
0x30: {  	s3 =	sld [smem:$0x3FAB]  }
0x31: {  	[smem:$0x3FB4] =	sst s10  }
0x32: {  	s10 =	sld [smem:$0x3FB2];
	_ =	sdelay $0x3  }
0x33: {  	p0 =	seq.s32 s10, $0x1;
	s10 =	sld [smem:$0x3FB4];
	_ =	sdelay $0x3  }
0x34: {  	[smem:$0x3FB4] =	sst s10  }
0x35: {  	s10 =	sld [smem:$0x3FB3];
	_ =	sdelay $0x3  }
0x36: {  	p1 =	seq.s32 s10, $0x1;
	s10 =	sld [smem:$0x3FB4];
	_ =	sdelay $0x3  }
0x37: {  	[smem:$0x3FB4] =	sst s10  }
0x38: {  	s10 =	sld [smem:$0x3FB5]  }
0x39: {  	_ = 	snop;
	(pc) =	sbr.ind lr, $3  }
0x3a: {  	_ = 	snop  }
0x3b: {  	_ = 	snop  }
0x3c: {  	p2 =	seq.s32 s10, $0x1;
	s10 =	sld [smem:$0x3FB4]  }
0x3d: {  	_ =	shalt  }
0x3e: {  	_ =	shalt  }
0x3f: {  	_ =	shalt  }
0x40: {  	_ =	shalt  }
0x41: {  	_ =	shalt  }
0x42: {  	_ =	shalt  }
0x43: {  	_ =	shalt  }
0x44: {  	_ =	shalt  }
0x45: {  	_ =	shalt  }
0x46: {  	_ =	shalt  }
0x47: {  	_ =	shalt  }
0x48: {  	_ =	shalt  }
0x49: {  	_ =	shalt  }
0x4a: {  	_ =	shalt  }
0x4b: {  	_ =	shalt  }
0x4c: {  	_ =	shalt  }
0x4d: {  	_ =	shalt  }
0x4e: {  	_ =	shalt  }
0x4f: {  	_ =	shalt  }
0x50: {  	_ =	shalt  }
0x51: {  	_ =	shalt  }
0x52: {  	_ =	shalt  }
0x53: {  	_ =	shalt  }
0x54: {  	_ =	shalt  }
0x55: {  	_ =	shalt  }
0x56: {  	_ =	shalt  }
0x57: {  	_ =	shalt  }
0x58: {  	_ =	shalt  }
0x59: {  	_ =	shalt  }
0x5a: {  	_ =	shalt  }
0x5b: {  	_ =	shalt  }
0x5c: {  	_ =	shalt  }
0x5d: {  	_ =	shalt  }
0x5e: {  	_ =	shalt  }
0x5f: {  	_ =	shalt  }
0x60: {  	_ =	shalt  }
0x61: {  	_ =	shalt  }
0x62: {  	_ =	shalt  }
0x63: {  	_ =	shalt  }
0x64: {  	_ =	shalt  }
0x65: {  	_ =	shalt  }
0x66: {  	_ =	shalt  }
0x67: {  	_ =	shalt  }
0x68: {  	_ =	shalt  }
0x69: {  	_ =	shalt  }
0x6a: {  	_ =	shalt  }
0x6b: {  	_ =	shalt  }
0x6c: {  	_ =	shalt  }
0x6d: {  	_ =	shalt  }
0x6e: {  	_ =	shalt  }
0x6f: {  	_ =	shalt  }
0x70: {  	_ =	shalt  }
0x71: {  	_ =	shalt  }
0x72: {  	_ =	shalt  }
0x73: {  	_ =	shalt  }
0x74: {  	_ =	shalt  }
0x75: {  	_ =	shalt  }
0x76: {  	_ =	shalt  }
0x77: {  	_ =	shalt  }
0x78: {  	_ =	shalt  }
0x79: {  	_ =	shalt  }
0x7a: {  	_ =	shalt  }
0x7b: {  	_ =	shalt  }
0x7c: {  	_ =	shalt  }
0x7d: {  	_ =	shalt  }
0x7e: {  	_ =	shalt  }
0x7f: {  	_ =	shalt  }
0x80: {  	_ =	shalt  }
0x81: {  	_ =	shalt  }
0x82: {  	_ =	shalt  }
0x83: {  	_ =	shalt  }
0x84: {  	_ =	shalt  }
0x85: {  	_ =	shalt  }
0x86: {  	_ =	shalt  }
0x87: {  	_ =	shalt  }
.Lfunc_end0:
.L_simem_size_0:
called_computation.1_lowered:
.L_overlay_start_0:
0x88: {  	s2 =	sld [smem:$0x3FD9]  }
0x89: {  	s3 =	sld [smem:$0x3FFE];
	_ =	sdelay $0x1  }
0x8a: {  	s1 =	srdreg.scid  }
0x8b: {  	s0 =	sand.u32 $0x1, s1  }
0x8c: {  	s17 =	sshll.u32 s0, $0xA;
	s2 =	sadd.s32 s3, s2  }
0x8d: {  	s2 =	sadd.s32 s2, s17  }
0x8e: {  	[smem:$0x3FC0] =	sst s2  }
0x8f: {  	_ = 	snop  }
0x90: {  	(tm) =	ssettm $0x1  }
0x91: {  	s18 =	sld [smem:$0x3FFB];
	_ =	sdelay $0x3  }
0x92: {  	_ =	strace s18  }
0x93: {  	s2 =	sld [smem:$0x3FFC];
	_ =	sdelay $0x3  }
0x94: {  	_ =	strace s2  }
0x95: {  	s2 =	sld [smem:$0x3FFD];
	_ =	sdelay $0x3  }
0x96: {  	_ =	strace s2  }
0x97: {  	_ =	strace $0x8FFFFFFF  }
0x98: {  	s19 =	sld [smem:$0x3FDB];
	_ =	sdelay $0x1  }
0x99: {  	s20 =	simm.s32 $_scs_section_size  }
0x9a: {  	s4 =	simm.s32 $_size__tile_overlayer_lowered;
	s5 =	simm.s32 $_tile_overlayer_lowered  }
0x9b: {  	s6 =	simm.s32 $0x1BFF;
	s21 =	sshll.u32 s5, $0x1;
	s3 =	sadd.s32 s20, s19  }
0x9c: {  	s22 =	simm.s32 $0x0;
	s4 =	sshll.u32 s4, $0x1;
	s5 =	sadd.s32 s21, s3  }
0x9d: {  	[timem:s22], [sflag:s6] =	dma.local [hbm:s5], s4  }
0x9e: {  	_ =	swait.ge [sflag:s6], s4  }
0x9f: {  	s4 =	ssub.s32 $0x0, s4;
	[sflag:s6] =	ssyncset.done $0x0  }
0xa0: {  	[sflag:s6] =	ssyncadd.s32 s4;
	_ =	sdelay $0x1  }
0xa1: {  	s23 =	simm.s32 $0x1B8B  }
0xa2: {  	_ =	swait.ge [sflag:s23], $0x1  }
0xa3: {  	[sflag:s23] =	ssyncset.done $0x0  }
0xa4: {  	[sflag:s23] =	ssyncadd.s32 $0xFFFFFFFF  }
0xa5: {  	s4 =	sld [smem:$0x0]  }
0xa6: {  	s5 =	sand.u32 $0xFFFFFFFE, s1  }
0xa7: {  	p0 =	sne.s32 s1, s5  }
0xa8: {  	s5 =	sshll.u32 @p0 s5, $0xE  }
0xa9: {  	s5 =	sadd.s32 @p0 $0x11B8D, s5;
	s6 =	sshll.u32 @p0 s4, $0x11  }
0xaa: {  	s5 =	sor.u32 @p0 s6, s5  }
0xab: {  	[sflag:s5] =	ssyncadd.remote.s32 @p0 $0x1;
	_ =	sdelay $0x1  }
0xac: {  	s5 =	simm.s32 @p0 $0x1B8D  }
0xad: {  	_ =	swait.eq @p0 [sflag:s5], $0x1  }
0xae: {  	[sflag:s5] =	ssyncadd.s32 @p0 $0xFFFFFFFF  }
0xaf: {  	s6 =	sshll.u32 @!p0 s1, $0xE  }
0xb0: {  	s6 =	sor.u32 @!p0 $0x4000, s6;
	s5 =	simm.s32 @!p0 $0x1B8D  }
0xb1: {  	s4 =	sshll.u32 @!p0 s4, $0x11;
	s6 =	sadd.s32 @!p0 $0x11B8D, s6;
	_ =	swait.eq @!p0 [sflag:s5], $0x1  }
0xb2: {  	s4 =	sor.u32 @!p0 s4, s6;
	[sflag:s5] =	ssyncadd.s32 @!p0 $0xFFFFFFFF  }
0xb3: {  	s25 =	simm.s32 $0x1B8E;
	s24 =	sld [smem:$0x3FFE];
	[sflag:s4] =	ssyncadd.remote.s32 @!p0 $0x1  }
0xb4: {  	s26 =	simm.s32 $execute0_lowered;
	[smem:$0x3FD2] =	sst s25  }
0xb5: {  	s5 =	sshll.u32 s26, $0x1;
	_ =	strace $0x80000049;
	[dreg:$0x1] =	wrdreg $0xFFFFFFFF  }
0xb6: {  	s28 =	simm.s32 $_size_execute0_lowered;
	s3 =	sadd.s32 s3, s5;
	[dreg:$0x0] =	wrdreg $0x0  }
0xb7: {  	s5 =	sshll.u32 s28, $0x1;
	[dreg:$0x2] =	wrdreg s3  }
0xb8: {  	[dreg:$0x3] =	wrdreg s5  }
0xb9: {  	[dreg:$0x4] =	wrdreg $0xC0  }
0xba: {  	_ =	task [dreg:s22], $0x5FFFF  }
0xbb: {  	[dreg:$0x1] =	wrdreg $0xFFFFFFFF  }
0xbc: {  	[dreg:$0x0] =	wrdreg $0x60  }
0xbd: {  	[dreg:$0x2] =	wrdreg s24  }
0xbe: {  	[dreg:$0x3] =	wrdreg $0xA  }
0xbf: {  	_ =	task.clear_ibuf [dreg:s22], $0x4FFFF;
	_ =	strace $0x90000049  }
0xc0: {  	s29 =	simm.s32 $0xA;
	_ =	strace $0x8000004B  }
0xc1: {  	_ =	swait.ge [sflag:s29], $0x1  }
0xc2: {  	[sflag:s29] =	ssyncadd.s32 $0xFFFFFFFF  }
0xc3: {  	_ =	strace $0x9000004B  }
0xc4: {  	_ =	sfence  }
0xc5: {  	s30 =	sld [smem:$0x0];
	_ =	sdelay $0x2  }
0xc6: {  	s31 =	sshll.u32 s1, $0xD;
	s1 =	sshrl.u32 s1, $0x2  }
0xc7: {  	s4 =	sand.u32 $0x4000, s31;
	s1 =	sadd.s32 s1, s30  }
0xc8: {  	s0 =	sor.u32 s4, s0;
	s1 =	sshll.u32 s1, $0x11  }
0xc9: {  	s0 =	sor.u32 s1, s0  }
0xca: {  	s0 =	sadd.s32 $0x8F2B, s0  }
0xcb: {  	[sflag:s0] =	ssyncadd.remote.s32 $0x1  }
0xcc: {  	_ =	sfence.sel $0xFFFF  }
0xcd: {  	[dreg:$0x0] =	wrdreg $0xFFFFFFFF;
	(pc) =	sbr.abs _section_cstart, $3  }
0xce: {  	[dreg:$0x1] =	wrdreg $0xFFFFFFFF  }
0xcf: {  	_ =	task.clear_ibuf [dreg:s22], $0x2FFFF;
	_ =	strace $0x9FFFFFFF  }
0xd0: {  	(tm) =	ssettm $0x7FFFFFFF  }
0xd1: {  	_ =	shalt  }
tec
execute0_lowered:
.L_overlay_start_1:
0x0: {  	(tag) =	ssettag $0x1  }
0x1: {  	s4 =	rddreg [dreg:$0x0]  }
0x2: {  	s0 =	rddreg [dreg:$0x1];
	s2 =	simm.s32 $0x0;
	s3 =	srdreg.scid  }
0x3: {  	s1 =	stileid.u32;
	s10 =	simm.s32 $0x4200;
	s11 =	simm.s32 $0x100  }
0x4: {  	s12 =	simm.s32 $0x8200;
	s13 =	simm.s32 $0x180;
	s14 =	simm.s32 $0xC200  }
0x5: {  	s15 =	simm.s32 $0x1;
	s16 =	simm.s32 $0x0;
	s6 =	smul.u32 $0x6400, s1  }
0x6: {  	[smem:$0x7FF] =	sst s2;
	s5 =	sand.u32 $0x1, s3;
	s8 =	smul.u32 $0x64000, s1  }
0x7: {  	s3 =	sadd.s32 $0x1800, s4;
	s7 =	smul.u32 $0x3200, s5;
	s9 =	ssub.s32 $0x2, s5  }
0x8: {  	_ =	strace $0x8000004A;
	s5 =	smul.u32 $0x32000, s5;
	s31 =	sshrl.u32 s9, $0x1  }
0x9: {  	s8 =	sadd.s32 s8, s4;
	s6 =	sadd.s32 s7, s6;
	s7 =	ssub.s32 s9, s31  }
0xa: {  	s5 =	sadd.s32 s5, s8;
	s8 =	simm.s32 $0x80;
	s6 =	sshrl.u32 s6, $0x3  }
0xb: {  	s9 =	simm.s32 $0x200;
	s5 =	sadd.s32 $0x1590400, s5;
	s6 =	sadd.s32 s6, s4  }
0xc: {  	s4 =	smax.u32 s7, $0x1;
	s7 =	simm.s32 $0x2;
	s6 =	sadd.s32 $0x1583C00, s6  }
.LBB2_1:
0xd: {  	s17 =	sadd.s32 $0x0, s6  }
0xe: {  	[tilespmem:s2], [sflag:$0x2] =	stream.linear.gather [hbm4b:s17+s2], $0x200, $0x38;
	[tilespmem:$0x10200] =	vst v63  }
0xf: {  	_ =	swait.ge [sflag:s7], $0x200  }
0x10: {  	[sflag:s7] =	ssyncset.done $0x0  }
0x11: {  	[sflag:s7] =	ssyncadd.s32 $0xFFFFFE00  }
0x12: {  	[tilespmem:s9], [sflag:$0x1] =	stream.indirect.gather [hbm4b:s3+s8], $0x80, s2, s8, $0xb8;
	[tilespmem:$0x10200] =	vst v63  }
0x13: {  	_ = 	snop  }
0x14: {  	[tilespmem:s10], [sflag:$0x1] =	stream.indirect.gather [hbm4b:s3+s8], $0x80, s8, s8, $0xb8;
	[tilespmem:$0x10200] =	vst v63  }
0x15: {  	_ = 	snop  }
0x16: {  	[tilespmem:s12], [sflag:$0x1] =	stream.indirect.gather [hbm4b:s3+s8], $0x80, s11, s8, $0xb8;
	[tilespmem:$0x10200] =	vst v63  }
0x17: {  	_ = 	snop  }
0x18: {  	[tilespmem:s14], [sflag:$0x1] =	stream.indirect.gather [hbm4b:s3+s8], $0x80, s13, s8, $0xb8;
	[tilespmem:$0x10200] =	vst v63  }
0x19: {  	_ =	swait.ge [sflag:s15], $0x4000  }
0x1a: {  	[sflag:s15] =	ssyncset.done $0x0  }
0x1b: {  	[sflag:s15] =	ssyncadd.s32 $0xFFFFC000  }
0x1c: {  	_ =	swait.ge [sflag:s15], $0x4000  }
0x1d: {  	[sflag:s15] =	ssyncset.done $0x0  }
0x1e: {  	[sflag:s15] =	ssyncadd.s32 $0xFFFFC000  }
0x1f: {  	_ =	swait.ge [sflag:s15], $0x4000  }
0x20: {  	[sflag:s15] =	ssyncset.done $0x0  }
0x21: {  	[sflag:s15] =	ssyncadd.s32 $0xFFFFC000  }
0x22: {  	_ =	swait.ge [sflag:s15], $0x4000  }
0x23: {  	[sflag:s15] =	ssyncset.done $0x0  }
0x24: {  	[sflag:s15] =	ssyncadd.s32 $0xFFFFC000  }
0x25: {  	[hbm4b:s5+s2] =	stream.linear.scatter [tilespmem:s9], [sflag:$0x2], $0x10000, $0x38;
	[tilespmem:$0x10200] =	vst v63  }
0x26: {  	s18 =	simm.s32 $0x40;
	_ =	swait.ge [sflag:s7], $0x10000  }
0x27: {  	s19 =	simm.s32 $0x80;
	s17 =	sadd.s32 $0x2000, s5;
	[sflag:s7] =	ssyncset.done $0x0  }
.LBB2_2:
0x28: {  	s20 =	sadd.s32 s18, s6  }
0x29: {  	[sflag:s7] =	ssyncadd.s32 $0xFFFF0000;
	s18 =	smov.u32 s19;
	s21 =	sadd.s32 $0x40, s19  }
0x2a: {  	[tilespmem:s2], [sflag:$0x2] =	stream.linear.gather [hbm4b:s20+s2], $0x200, $0x38;
	[tilespmem:$0x10200] =	vst v63  }
0x2b: {  	p0 =	sne.s32 s19, $0x600;
	_ =	swait.ge [sflag:s7], $0x200  }
0x2c: {  	[sflag:s7] =	ssyncset.done $0x0  }
0x2d: {  	[sflag:s7] =	ssyncadd.s32 $0xFFFFFE00  }
0x2e: {  	[tilespmem:s9], [sflag:$0x1] =	stream.indirect.gather [hbm4b:s3+s8], $0x80, s2, s8, $0xb8;
	[tilespmem:$0x10200] =	vst v63  }
0x2f: {  	_ = 	snop  }
0x30: {  	[tilespmem:s10], [sflag:$0x1] =	stream.indirect.gather [hbm4b:s3+s8], $0x80, s8, s8, $0xb8;
	[tilespmem:$0x10200] =	vst v63  }
0x31: {  	_ = 	snop  }
0x32: {  	[tilespmem:s12], [sflag:$0x1] =	stream.indirect.gather [hbm4b:s3+s8], $0x80, s11, s8, $0xb8;
	[tilespmem:$0x10200] =	vst v63  }
0x33: {  	_ = 	snop  }
0x34: {  	[tilespmem:s14], [sflag:$0x1] =	stream.indirect.gather [hbm4b:s3+s8], $0x80, s13, s8, $0xb8;
	[tilespmem:$0x10200] =	vst v63  }
0x35: {  	_ =	swait.ge [sflag:s15], $0x4000  }
0x36: {  	[sflag:s15] =	ssyncset.done $0x0  }
0x37: {  	[sflag:s15] =	ssyncadd.s32 $0xFFFFC000  }
0x38: {  	_ =	swait.ge [sflag:s15], $0x4000  }
0x39: {  	[sflag:s15] =	ssyncset.done $0x0  }
0x3a: {  	[sflag:s15] =	ssyncadd.s32 $0xFFFFC000  }
0x3b: {  	_ =	swait.ge [sflag:s15], $0x4000  }
0x3c: {  	[sflag:s15] =	ssyncset.done $0x0  }
0x3d: {  	[sflag:s15] =	ssyncadd.s32 $0xFFFFC000  }
0x3e: {  	_ =	swait.ge [sflag:s15], $0x4000  }
.Ltmp0:
0x3f: {  	[sflag:s15] =	ssyncset.done $0x0;
	(pc) =	sbr.rel @p0 .LBB2_2-.Ltmp0, $4  }
0x40: {  	[sflag:s15] =	ssyncadd.s32 $0xFFFFC000  }
0x41: {  	[hbm4b:s17+s2] =	stream.linear.scatter [tilespmem:s9], [sflag:$0x2], $0x10000, $0x38;
	[tilespmem:$0x10200] =	vst v63  }
0x42: {  	_ =	swait.ge [sflag:s7], $0x10000  }
0x43: {  	s19 =	smov.u32 s21;
	s17 =	sadd.s32 $0x2000, s17;
	[sflag:s7] =	ssyncset.done $0x0  }
0x44: {  	s18 =	sadd.s32 s18, s6;
	[sflag:s7] =	ssyncadd.s32 $0xFFFF0000  }
0x45: {  	[tilespmem:s2], [sflag:$0x2] =	stream.linear.gather [hbm4b:s18+s2], $0x200, $0x38;
	[tilespmem:$0x10200] =	vst v63  }
0x46: {  	_ =	swait.ge [sflag:s7], $0x200  }
0x47: {  	[sflag:s7] =	ssyncset.done $0x0  }
0x48: {  	[sflag:s7] =	ssyncadd.s32 $0xFFFFFE00  }
0x49: {  	[tilespmem:s9], [sflag:$0x1] =	stream.indirect.gather [hbm4b:s3+s8], $0x80, s2, s8, $0xb8;
	[tilespmem:$0x10200] =	vst v63  }
0x4a: {  	_ = 	snop  }
0x4b: {  	[tilespmem:s10], [sflag:$0x1] =	stream.indirect.gather [hbm4b:s3+s8], $0x80, s8, s8, $0xb8;
	[tilespmem:$0x10200] =	vst v63  }
0x4c: {  	_ = 	snop  }
0x4d: {  	[tilespmem:s12], [sflag:$0x1] =	stream.indirect.gather [hbm4b:s3+s8], $0x80, s11, s8, $0xb8;
	[tilespmem:$0x10200] =	vst v63  }
0x4e: {  	_ = 	snop  }
0x4f: {  	[tilespmem:s14], [sflag:$0x1] =	stream.indirect.gather [hbm4b:s3+s8], $0x80, s13, s8, $0xb8;
	[tilespmem:$0x10200] =	vst v63  }
0x50: {  	_ =	swait.ge [sflag:s15], $0x4000  }
0x51: {  	[sflag:s15] =	ssyncset.done $0x0  }
0x52: {  	[sflag:s15] =	ssyncadd.s32 $0xFFFFC000  }
0x53: {  	_ =	swait.ge [sflag:s15], $0x4000  }
0x54: {  	[sflag:s15] =	ssyncset.done $0x0  }
0x55: {  	[sflag:s15] =	ssyncadd.s32 $0xFFFFC000  }
0x56: {  	_ =	swait.ge [sflag:s15], $0x4000  }
0x57: {  	[sflag:s15] =	ssyncset.done $0x0  }
0x58: {  	[sflag:s15] =	ssyncadd.s32 $0xFFFFC000  }
0x59: {  	s16 =	sadd.s32 $0x1, s16;
	_ =	swait.ge [sflag:s15], $0x4000  }
0x5a: {  	p0 =	sne.s32 s16, s4;
	[sflag:s15] =	ssyncset.done $0x0  }
.Ltmp1:
0x5b: {  	[sflag:s15] =	ssyncadd.s32 $0xFFFFC000;
	(pc) =	sbr.rel @p0 .LBB2_1-.Ltmp1, $4  }
0x5c: {  	[hbm4b:s17+s2] =	stream.linear.scatter [tilespmem:s9], [sflag:$0x2], $0x10000, $0x38;
	[tilespmem:$0x10200] =	vst v63  }
0x5d: {  	_ =	swait.ge [sflag:s7], $0x10000  }
0x5e: {  	[sflag:s7] =	ssyncset.done $0x0  }
0x5f: {  	[sflag:s7] =	ssyncadd.s32 $0xFFFF0000  }
0x60: {  	_ =	sfence.sel $0x180000  }
0x61: {  	[bflag:$0x0] =	sbarrier.arrive $0xFFFF  }
0x62: {  	p0 =	sne.s32 s1, $0x0;
	_ =	strace $0x9000004A  }
0x63: {  	s0 =	sadd.s32 @!p0 $0x100000, s0;
	[bflag:$0x2] =	sbarrier.arrive $0xFFFF  }
0x64: {  	[sflag:s0] =	ssyncadd.tile.s32 @!p0 $0x1;
	_ =	shalt  }
.Lfunc_end2:
_tile_overlayer_lowered:
.L_overlay_start_2:
0x65: {  	(tag) =	ssettag $0x2  }
0x66: {  	s0 =	rddreg [dreg:$0x0];
	s2 =	stileid.u32  }
0x67: {  	s1 =	rddreg [dreg:$0x1];
	p0 =	sne.s32 s2, $0x0  }
0x68: {  	s3 =	rddreg [dreg:$0x2];
	[bflag:$0x3] =	sbarrier.arrive $0xFFFF;
	s2 =	simm.s32 @!p0 $0x1C02  }
0x69: {  	[timem:s3], [sflag:s2] =	dma.local @!p0 [hbm:s0], s1  }
0x6a: {  	s0 =	simm.s32 @!p0 $0x2  }
0x6b: {  	_ =	swait.ge @!p0 [sflag:s0], s1  }
0x6c: {  	s1 =	ssub.s32 @!p0 $0x0, s1;
	[sflag:s0] =	ssyncset.done @!p0 $0x0  }
0x6d: {  	[sflag:s0] =	ssyncadd.s32 @!p0 s1  }
0x6e: {  	[bflag:$0x3] =	sbarrier.arrive $0xFFFF  }
0x6f: {  	_ =	shalt  }

// kernel: kernel.7.cloned.1.call-start
scs
__scs_entry_jumppad:
0x0: {  	(pc) =	sbr.rel $0x88, $3  }
0x1: {  	(tag) =	ssettag $0x0;
	lr =	simm.s32 $0x1  }
0x2: {  	[smem:$0x3F99] =	sst lr;
	_ =	strace $0xD0000000  }
0x3: {  	_ = 	snop  }
0x4: {  	_ = 	snop  }
0x5: {  	_ = 	snop  }
0x6: {  	_ = 	snop  }
0x7: {  	_ = 	snop  }
__scs_overlays_trampoline_lowered:
0x8: {  	[smem:$0x3FA8] =	sst s0  }
0x9: {  	[smem:$0x3FA9] =	sst s1  }
0xa: {  	[smem:$0x3FAA] =	sst s2  }
0xb: {  	[smem:$0x3FAB] =	sst s3  }
0xc: {  	[smem:$0x3FAC] =	sst s4  }
0xd: {  	[smem:$0x3FAD] =	sst s5  }
0xe: {  	[smem:$0x3FAE] =	sst s6  }
0xf: {  	[smem:$0x3FAF] =	sst s7  }
0x10: {  	[smem:$0x3FB0] =	sst s8  }
0x11: {  	[smem:$0x3FB1] =	sst s9;
	s0 =	simm.s32 @!p0 $0x0  }
0x12: {  	s1 =	sld [smem:$0x3F97];
	s0 =	simm.s32 @p0 $0x1  }
0x13: {  	[smem:$0x3FB2] =	sst s0;
	s0 =	simm.s32 @!p1 $0x0  }
0x14: {  	s2 =	sld [smem:$0x3F96];
	s0 =	simm.s32 @p1 $0x1  }
0x15: {  	[smem:$0x3FB3] =	sst s0;
	s0 =	simm.s32 @!p2 $0x0  }
0x16: {  	s3 =	sld [smem:$0x3FDB];
	s0 =	simm.s32 @p2 $0x1  }
0x17: {  	s4 =	simm.s32 $0x1BF5;
	[smem:$0x3FB5] =	sst s0  }
0x18: {  	s0 =	sld [smem:$0x3F98];
	_ =	swait.ge [sflag:s4], $0x0  }
0x19: {  	s7 =	sld [smem:$0x3F99]  }
0x1a: {  	s8 =	sadd.s32 $0xFFFFE003, lr  }
0x1b: {  	s9 =	sadd.s32 $0xFFFFFEF7, lr;
	s5 =	simm.s32 $0xFFFFFFFF;
	p2 =	slt.u32 s8, $0xFFFFF086  }
0x1c: {  	p1 =	slt.u32 s9, $0xF7A;
	s5 =	simm.s32 @!p2 $0x0  }
0x1d: {  	s5 =	simm.s32 @p1 $0x1;
	p0 =	seq.s32 s7, s2  }
0x1e: {  	s7 =	smul.u32 @!p0 $0xF7A, s2;
	p2 =	seq.s32 @!p0 s5, $0x0  }
0x1f: {  	s9 =	smul.u32 $0xF7A, s1;
	s8 =	simm.s32 @!p0 $0x1BF5;
	p2 =	por !p2, p0  }
0x20: {  	[sflag:s8] =	ssyncset.s32 @!p0 $0xFFFFF086;
	s6 =	sadd.s32 @!p0 s3, s7;
	s7 =	simm.s32 @!p0 $0x108  }
0x21: {  	s3 =	sadd.s32 s3, s9;
	s6 =	sadd.s32 @!p0 $0x88, s6;
	s7 =	simm.s32 @p2 $0x1082  }
0x22: {  	[simem:s7], [sflag:s8] =	dma.local @!p0 [hbm:s6], $0xF7A  }
0x23: {  	s9 =	sor.u32 $0xD0000000, s2;
	s6 =	simm.s32 $0x108;
	_ =	swait.ge @!p0 [sflag:s8], $0x0  }
0x24: {  	s3 =	sadd.s32 $0x88, s3;
	s6 =	simm.s32 @!p1 $0x1082;
	[sflag:s4] =	ssyncset.s32 $0xFFFFF086  }
0x25: {  	[simem:s6], [sflag:s4] =	dma.local [hbm:s3], $0xF7A  }
0x26: {  	[smem:$0x3F99] =	sst s1;
	(tag) =	ssettag s2;
	_ =	strace s9  }
0x27: {  	s1 =	sld [smem:$0x3FA9]  }
0x28: {  	s2 =	sld [smem:$0x3FAA]  }
0x29: {  	s4 =	sld [smem:$0x3FAC]  }
0x2a: {  	p0 =	seq.s32 s5, $0x0;
	s5 =	sld [smem:$0x3FAD]  }
0x2b: {  	s6 =	sld [smem:$0x3FAE]  }
0x2c: {  	s7 =	sld [smem:$0x3FAF]  }
0x2d: {  	s3 =	simm.s32 $0x108;
	s8 =	sld [smem:$0x3FB0]  }
0x2e: {  	s3 =	simm.s32 @!p0 $0x1082;
	s9 =	sld [smem:$0x3FB1]  }
0x2f: {  	lr =	sadd.s32 s0, s3;
	s0 =	sld [smem:$0x3FA8]  }
0x30: {  	s3 =	sld [smem:$0x3FAB]  }
0x31: {  	[smem:$0x3FB4] =	sst s10  }
0x32: {  	s10 =	sld [smem:$0x3FB2];
	_ =	sdelay $0x3  }
0x33: {  	p0 =	seq.s32 s10, $0x1;
	s10 =	sld [smem:$0x3FB4];
	_ =	sdelay $0x3  }
0x34: {  	[smem:$0x3FB4] =	sst s10  }
0x35: {  	s10 =	sld [smem:$0x3FB3];
	_ =	sdelay $0x3  }
0x36: {  	p1 =	seq.s32 s10, $0x1;
	s10 =	sld [smem:$0x3FB4];
	_ =	sdelay $0x3  }
0x37: {  	[smem:$0x3FB4] =	sst s10  }
0x38: {  	s10 =	sld [smem:$0x3FB5]  }
0x39: {  	_ = 	snop;
	(pc) =	sbr.ind lr, $3  }
0x3a: {  	_ = 	snop  }
0x3b: {  	_ = 	snop  }
0x3c: {  	p2 =	seq.s32 s10, $0x1;
	s10 =	sld [smem:$0x3FB4]  }
0x3d: {  	_ =	shalt  }
0x3e: {  	_ =	shalt  }
0x3f: {  	_ =	shalt  }
0x40: {  	_ =	shalt  }
0x41: {  	_ =	shalt  }
0x42: {  	_ =	shalt  }
0x43: {  	_ =	shalt  }
0x44: {  	_ =	shalt  }
0x45: {  	_ =	shalt  }
0x46: {  	_ =	shalt  }
0x47: {  	_ =	shalt  }
0x48: {  	_ =	shalt  }
0x49: {  	_ =	shalt  }
0x4a: {  	_ =	shalt  }
0x4b: {  	_ =	shalt  }
0x4c: {  	_ =	shalt  }
0x4d: {  	_ =	shalt  }
0x4e: {  	_ =	shalt  }
0x4f: {  	_ =	shalt  }
0x50: {  	_ =	shalt  }
0x51: {  	_ =	shalt  }
0x52: {  	_ =	shalt  }
0x53: {  	_ =	shalt  }
0x54: {  	_ =	shalt  }
0x55: {  	_ =	shalt  }
0x56: {  	_ =	shalt  }
0x57: {  	_ =	shalt  }
0x58: {  	_ =	shalt  }
0x59: {  	_ =	shalt  }
0x5a: {  	_ =	shalt  }
0x5b: {  	_ =	shalt  }
0x5c: {  	_ =	shalt  }
0x5d: {  	_ =	shalt  }
0x5e: {  	_ =	shalt  }
0x5f: {  	_ =	shalt  }
0x60: {  	_ =	shalt  }
0x61: {  	_ =	shalt  }
0x62: {  	_ =	shalt  }
0x63: {  	_ =	shalt  }
0x64: {  	_ =	shalt  }
0x65: {  	_ =	shalt  }
0x66: {  	_ =	shalt  }
0x67: {  	_ =	shalt  }
0x68: {  	_ =	shalt  }
0x69: {  	_ =	shalt  }
0x6a: {  	_ =	shalt  }
0x6b: {  	_ =	shalt  }
0x6c: {  	_ =	shalt  }
0x6d: {  	_ =	shalt  }
0x6e: {  	_ =	shalt  }
0x6f: {  	_ =	shalt  }
0x70: {  	_ =	shalt  }
0x71: {  	_ =	shalt  }
0x72: {  	_ =	shalt  }
0x73: {  	_ =	shalt  }
0x74: {  	_ =	shalt  }
0x75: {  	_ =	shalt  }
0x76: {  	_ =	shalt  }
0x77: {  	_ =	shalt  }
0x78: {  	_ =	shalt  }
0x79: {  	_ =	shalt  }
0x7a: {  	_ =	shalt  }
0x7b: {  	_ =	shalt  }
0x7c: {  	_ =	shalt  }
0x7d: {  	_ =	shalt  }
0x7e: {  	_ =	shalt  }
0x7f: {  	_ =	shalt  }
0x80: {  	_ =	shalt  }
0x81: {  	_ =	shalt  }
0x82: {  	_ =	shalt  }
0x83: {  	_ =	shalt  }
0x84: {  	_ =	shalt  }
0x85: {  	_ =	shalt  }
0x86: {  	_ =	shalt  }
0x87: {  	_ =	shalt  }
.Lfunc_end0:
.L_simem_size_0:
called_computation_lowered:
.L_overlay_start_0:
0x88: {  	s2 =	sld [smem:$0x3FD9]  }
0x89: {  	s3 =	sld [smem:$0x3FFE];
	_ =	sdelay $0x1  }
0x8a: {  	s1 =	srdreg.scid  }
0x8b: {  	s0 =	sand.u32 $0x1, s1  }
0x8c: {  	s17 =	sshll.u32 s0, $0xA;
	s2 =	sadd.s32 s3, s2  }
0x8d: {  	s2 =	sadd.s32 s2, s17  }
0x8e: {  	[smem:$0x3FC0] =	sst s2  }
0x8f: {  	_ = 	snop  }
0x90: {  	s2 =	sld [smem:$0x3FD0];
	(tm) =	ssettm $0x1  }
0x91: {  	s18 =	sld [smem:$0x3FFB];
	_ =	sdelay $0x3  }
0x92: {  	_ =	strace s18  }
0x93: {  	s3 =	sld [smem:$0x3FFC];
	_ =	sdelay $0x3  }
0x94: {  	_ =	strace s3  }
0x95: {  	s3 =	sld [smem:$0x3FFD];
	_ =	sdelay $0x3  }
0x96: {  	_ =	strace s3  }
0x97: {  	_ =	strace $0x8FFFFFFF  }
0x98: {  	s19 =	sld [smem:$0x3FDB];
	_ =	sdelay $0x1  }
0x99: {  	s4 =	simm.s32 $_scs_section_size  }
0x9a: {  	s5 =	simm.s32 $_size__tile_overlayer_lowered;
	s6 =	simm.s32 $_tile_overlayer_lowered  }
0x9b: {  	s22 =	simm.s32 $0x1BFF;
	s21 =	sshll.u32 s6, $0x1;
	s3 =	sadd.s32 s4, s19  }
0x9c: {  	s7 =	simm.s32 $0x0;
	s20 =	sshll.u32 s5, $0x1;
	s5 =	sadd.s32 s21, s3  }
0x9d: {  	[timem:s7], [sflag:s22] =	dma.local [hbm:s5], s20  }
0x9e: {  	_ =	swait.ge [sflag:s22], s20  }
0x9f: {  	s4 =	ssub.s32 $0x0, s20;
	[sflag:s22] =	ssyncset.done $0x0  }
0xa0: {  	[sflag:s22] =	ssyncadd.s32 s4;
	_ =	sdelay $0x1  }
0xa1: {  	s23 =	simm.s32 $0x1B8B  }
0xa2: {  	_ =	swait.ge [sflag:s23], $0x1  }
0xa3: {  	[sflag:s23] =	ssyncset.done $0x0  }
0xa4: {  	s25 =	simm.s32 $0x1B8E;
	s24 =	sld [smem:$0x3FFE];
	[sflag:s23] =	ssyncadd.s32 $0xFFFFFFFF  }
0xa5: {  	s26 =	simm.s32 $execute0_lowered;
	[smem:$0x3FD2] =	sst s25  }
0xa6: {  	s5 =	sshll.u32 s26, $0x1;
	_ =	strace $0x80000046;
	[dreg:$0x1] =	wrdreg $0xFFFFFFFF  }
0xa7: {  	s28 =	simm.s32 $_size_execute0_lowered;
	s3 =	sadd.s32 s3, s5;
	[dreg:$0x0] =	wrdreg $0x0  }
0xa8: {  	s5 =	sshll.u32 s28, $0x1;
	[dreg:$0x2] =	wrdreg s3  }
0xa9: {  	[dreg:$0x3] =	wrdreg s5  }
0xaa: {  	[dreg:$0x4] =	wrdreg $0xC0  }
0xab: {  	_ =	task [dreg:s7], $0x5FFFF  }
0xac: {  	[dreg:$0x1] =	wrdreg $0xFFFFFFFF  }
0xad: {  	[dreg:$0x0] =	wrdreg $0x60  }
0xae: {  	[dreg:$0x2] =	wrdreg s24  }
0xaf: {  	[dreg:$0x3] =	wrdreg s2  }
0xb0: {  	[dreg:$0x4] =	wrdreg $0x9  }
0xb1: {  	_ =	task.clear_ibuf [dreg:s7], $0x5FFFF;
	_ =	strace $0x90000046  }
0xb2: {  	s29 =	simm.s32 $0x9;
	_ =	strace $0x80000048  }
0xb3: {  	_ =	swait.ge [sflag:s29], $0x1  }
0xb4: {  	[sflag:s29] =	ssyncadd.s32 $0xFFFFFFFF  }
0xb5: {  	_ =	strace $0x90000048  }
0xb6: {  	_ =	sfence  }
0xb7: {  	s30 =	sld [smem:$0x0];
	_ =	sdelay $0x2  }
0xb8: {  	s31 =	sshll.u32 s1, $0xD;
	s1 =	sshrl.u32 s1, $0x2  }
0xb9: {  	s3 =	sand.u32 $0x4000, s31;
	s1 =	sadd.s32 s1, s30  }
0xba: {  	s0 =	sor.u32 s3, s0;
	s1 =	sshll.u32 s1, $0x11  }
0xbb: {  	s0 =	sor.u32 s1, s0  }
0xbc: {  	s0 =	sadd.s32 $0x8F2B, s0  }
0xbd: {  	[sflag:s0] =	ssyncadd.remote.s32 $0x1  }
0xbe: {  	_ =	sfence.sel $0xFFFF  }
0xbf: {  	[dreg:$0x0] =	wrdreg $0xFFFFFFFF;
	(pc) =	sbr.abs _section_cstart, $3  }
0xc0: {  	[dreg:$0x1] =	wrdreg $0xFFFFFFFF  }
0xc1: {  	_ =	task.clear_ibuf [dreg:s7], $0x2FFFF;
	_ =	strace $0x9FFFFFFF  }
0xc2: {  	(tm) =	ssettm $0x7FFFFFFF  }
0xc3: {  	_ =	shalt  }
tec
execute0_lowered:
.L_overlay_start_1:
0x0: {  	(tag) =	ssettag $0x1  }
0x1: {  	s4 =	rddreg [dreg:$0x0]  }
0x2: {  	s6 =	rddreg [dreg:$0x1]  }
0x3: {  	s0 =	rddreg [dreg:$0x2];
	s1 =	stileid.u32  }
0x4: {  	s2 =	simm.s32 $0x0;
	s3 =	srdreg.scid;
	s12 =	simm.s32 $0x8200  }
0x5: {  	s13 =	simm.s32 $0x180;
	s14 =	simm.s32 $0xC200;
	s5 =	smul.u32 $0x64000, s1  }
0x6: {  	s15 =	simm.s32 $0x1;
	s7 =	sand.u32 $0x1, s3;
	s8 =	smul.u32 $0x6400, s1  }
0x7: {  	s16 =	simm.s32 $0x0;
	[smem:$0x7FF] =	sst s2;
	s10 =	smul.u32 $0x3200, s7  }
0x8: {  	s3 =	sadd.s32 $0x1800, s4;
	s9 =	ssub.s32 $0x2, s7;
	s7 =	smul.u32 $0x32000, s7  }
0x9: {  	_ =	strace $0x80000047;
	s11 =	sshrl.u32 s9, $0x1;
	s5 =	sadd.s32 s5, s4  }
0xa: {  	s30 =	ssub.s32 s9, s11;
	s8 =	sadd.s32 s10, s8;
	s5 =	sadd.s32 s7, s5  }
0xb: {  	s7 =	simm.s32 $0x2;
	s9 =	simm.s32 $0x200;
	s10 =	simm.s32 $0x4200  }
0xc: {  	s11 =	simm.s32 $0x100;
	s4 =	smax.u32 s30, $0x1;
	s31 =	sshrl.u32 s8, $0x3  }
0xd: {  	s5 =	sadd.s32 $0xF43C00, s5;
	s8 =	simm.s32 $0x80;
	s6 =	sadd.s32 s31, s6  }
.LBB2_1:
0xe: {  	s17 =	sadd.s32 $0x0, s6  }
0xf: {  	[tilespmem:s2], [sflag:$0x2] =	stream.linear.gather [hbm4b:s17+s2], $0x200, $0x38;
	[tilespmem:$0x10200] =	vst v63  }
0x10: {  	_ =	swait.ge [sflag:s7], $0x200  }
0x11: {  	[sflag:s7] =	ssyncset.done $0x0  }
0x12: {  	[sflag:s7] =	ssyncadd.s32 $0xFFFFFE00  }
0x13: {  	[tilespmem:s9], [sflag:$0x1] =	stream.indirect.gather [hbm4b:s3+s8], $0x80, s2, s8, $0xb8;
	[tilespmem:$0x10200] =	vst v63  }
0x14: {  	_ = 	snop  }
0x15: {  	[tilespmem:s10], [sflag:$0x1] =	stream.indirect.gather [hbm4b:s3+s8], $0x80, s8, s8, $0xb8;
	[tilespmem:$0x10200] =	vst v63  }
0x16: {  	_ = 	snop  }
0x17: {  	[tilespmem:s12], [sflag:$0x1] =	stream.indirect.gather [hbm4b:s3+s8], $0x80, s11, s8, $0xb8;
	[tilespmem:$0x10200] =	vst v63  }
0x18: {  	_ = 	snop  }
0x19: {  	[tilespmem:s14], [sflag:$0x1] =	stream.indirect.gather [hbm4b:s3+s8], $0x80, s13, s8, $0xb8;
	[tilespmem:$0x10200] =	vst v63  }
0x1a: {  	_ =	swait.ge [sflag:s15], $0x4000  }
0x1b: {  	[sflag:s15] =	ssyncset.done $0x0  }
0x1c: {  	[sflag:s15] =	ssyncadd.s32 $0xFFFFC000  }
0x1d: {  	_ =	swait.ge [sflag:s15], $0x4000  }
0x1e: {  	[sflag:s15] =	ssyncset.done $0x0  }
0x1f: {  	[sflag:s15] =	ssyncadd.s32 $0xFFFFC000  }
0x20: {  	_ =	swait.ge [sflag:s15], $0x4000  }
0x21: {  	[sflag:s15] =	ssyncset.done $0x0  }
0x22: {  	[sflag:s15] =	ssyncadd.s32 $0xFFFFC000  }
0x23: {  	_ =	swait.ge [sflag:s15], $0x4000  }
0x24: {  	[sflag:s15] =	ssyncset.done $0x0  }
0x25: {  	[sflag:s15] =	ssyncadd.s32 $0xFFFFC000  }
0x26: {  	[hbm4b:s5+s2] =	stream.linear.scatter [tilespmem:s9], [sflag:$0x2], $0x10000, $0x38;
	[tilespmem:$0x10200] =	vst v63  }
0x27: {  	s18 =	simm.s32 $0x40;
	_ =	swait.ge [sflag:s7], $0x10000  }
0x28: {  	s19 =	simm.s32 $0x80;
	s17 =	sadd.s32 $0x2000, s5;
	[sflag:s7] =	ssyncset.done $0x0  }
.LBB2_2:
0x29: {  	s20 =	sadd.s32 s18, s6  }
0x2a: {  	[sflag:s7] =	ssyncadd.s32 $0xFFFF0000;
	s18 =	smov.u32 s19;
	s21 =	sadd.s32 $0x40, s19  }
0x2b: {  	[tilespmem:s2], [sflag:$0x2] =	stream.linear.gather [hbm4b:s20+s2], $0x200, $0x38;
	[tilespmem:$0x10200] =	vst v63  }
0x2c: {  	p0 =	sne.s32 s19, $0x600;
	_ =	swait.ge [sflag:s7], $0x200  }
0x2d: {  	[sflag:s7] =	ssyncset.done $0x0  }
0x2e: {  	[sflag:s7] =	ssyncadd.s32 $0xFFFFFE00  }
0x2f: {  	[tilespmem:s9], [sflag:$0x1] =	stream.indirect.gather [hbm4b:s3+s8], $0x80, s2, s8, $0xb8;
	[tilespmem:$0x10200] =	vst v63  }
0x30: {  	_ = 	snop  }
0x31: {  	[tilespmem:s10], [sflag:$0x1] =	stream.indirect.gather [hbm4b:s3+s8], $0x80, s8, s8, $0xb8;
	[tilespmem:$0x10200] =	vst v63  }
0x32: {  	_ = 	snop  }
0x33: {  	[tilespmem:s12], [sflag:$0x1] =	stream.indirect.gather [hbm4b:s3+s8], $0x80, s11, s8, $0xb8;
	[tilespmem:$0x10200] =	vst v63  }
0x34: {  	_ = 	snop  }
0x35: {  	[tilespmem:s14], [sflag:$0x1] =	stream.indirect.gather [hbm4b:s3+s8], $0x80, s13, s8, $0xb8;
	[tilespmem:$0x10200] =	vst v63  }
0x36: {  	_ =	swait.ge [sflag:s15], $0x4000  }
0x37: {  	[sflag:s15] =	ssyncset.done $0x0  }
0x38: {  	[sflag:s15] =	ssyncadd.s32 $0xFFFFC000  }
0x39: {  	_ =	swait.ge [sflag:s15], $0x4000  }
0x3a: {  	[sflag:s15] =	ssyncset.done $0x0  }
0x3b: {  	[sflag:s15] =	ssyncadd.s32 $0xFFFFC000  }
0x3c: {  	_ =	swait.ge [sflag:s15], $0x4000  }
0x3d: {  	[sflag:s15] =	ssyncset.done $0x0  }
0x3e: {  	[sflag:s15] =	ssyncadd.s32 $0xFFFFC000  }
0x3f: {  	_ =	swait.ge [sflag:s15], $0x4000  }
.Ltmp0:
0x40: {  	[sflag:s15] =	ssyncset.done $0x0;
	(pc) =	sbr.rel @p0 .LBB2_2-.Ltmp0, $4  }
0x41: {  	[sflag:s15] =	ssyncadd.s32 $0xFFFFC000  }
0x42: {  	[hbm4b:s17+s2] =	stream.linear.scatter [tilespmem:s9], [sflag:$0x2], $0x10000, $0x38;
	[tilespmem:$0x10200] =	vst v63  }
0x43: {  	_ =	swait.ge [sflag:s7], $0x10000  }
0x44: {  	s19 =	smov.u32 s21;
	s17 =	sadd.s32 $0x2000, s17;
	[sflag:s7] =	ssyncset.done $0x0  }
0x45: {  	s18 =	sadd.s32 s18, s6;
	[sflag:s7] =	ssyncadd.s32 $0xFFFF0000  }
0x46: {  	[tilespmem:s2], [sflag:$0x2] =	stream.linear.gather [hbm4b:s18+s2], $0x200, $0x38;
	[tilespmem:$0x10200] =	vst v63  }
0x47: {  	_ =	swait.ge [sflag:s7], $0x200  }
0x48: {  	[sflag:s7] =	ssyncset.done $0x0  }
0x49: {  	[sflag:s7] =	ssyncadd.s32 $0xFFFFFE00  }
0x4a: {  	[tilespmem:s9], [sflag:$0x1] =	stream.indirect.gather [hbm4b:s3+s8], $0x80, s2, s8, $0xb8;
	[tilespmem:$0x10200] =	vst v63  }
0x4b: {  	_ = 	snop  }
0x4c: {  	[tilespmem:s10], [sflag:$0x1] =	stream.indirect.gather [hbm4b:s3+s8], $0x80, s8, s8, $0xb8;
	[tilespmem:$0x10200] =	vst v63  }
0x4d: {  	_ = 	snop  }
0x4e: {  	[tilespmem:s12], [sflag:$0x1] =	stream.indirect.gather [hbm4b:s3+s8], $0x80, s11, s8, $0xb8;
	[tilespmem:$0x10200] =	vst v63  }
0x4f: {  	_ = 	snop  }
0x50: {  	[tilespmem:s14], [sflag:$0x1] =	stream.indirect.gather [hbm4b:s3+s8], $0x80, s13, s8, $0xb8;
	[tilespmem:$0x10200] =	vst v63  }
0x51: {  	_ =	swait.ge [sflag:s15], $0x4000  }
0x52: {  	[sflag:s15] =	ssyncset.done $0x0  }
0x53: {  	[sflag:s15] =	ssyncadd.s32 $0xFFFFC000  }
0x54: {  	_ =	swait.ge [sflag:s15], $0x4000  }
0x55: {  	[sflag:s15] =	ssyncset.done $0x0  }
0x56: {  	[sflag:s15] =	ssyncadd.s32 $0xFFFFC000  }
0x57: {  	_ =	swait.ge [sflag:s15], $0x4000  }
0x58: {  	[sflag:s15] =	ssyncset.done $0x0  }
0x59: {  	[sflag:s15] =	ssyncadd.s32 $0xFFFFC000  }
0x5a: {  	s16 =	sadd.s32 $0x1, s16;
	_ =	swait.ge [sflag:s15], $0x4000  }
0x5b: {  	p0 =	sne.s32 s16, s4;
	[sflag:s15] =	ssyncset.done $0x0  }
.Ltmp1:
0x5c: {  	[sflag:s15] =	ssyncadd.s32 $0xFFFFC000;
	(pc) =	sbr.rel @p0 .LBB2_1-.Ltmp1, $4  }
0x5d: {  	[hbm4b:s17+s2] =	stream.linear.scatter [tilespmem:s9], [sflag:$0x2], $0x10000, $0x38;
	[tilespmem:$0x10200] =	vst v63  }
0x5e: {  	_ =	swait.ge [sflag:s7], $0x10000  }
0x5f: {  	[sflag:s7] =	ssyncset.done $0x0  }
0x60: {  	[sflag:s7] =	ssyncadd.s32 $0xFFFF0000  }
0x61: {  	_ =	sfence.sel $0x180000  }
0x62: {  	[bflag:$0x0] =	sbarrier.arrive $0xFFFF  }
0x63: {  	p0 =	sne.s32 s1, $0x0;
	_ =	strace $0x90000047  }
0x64: {  	s0 =	sadd.s32 @!p0 $0x100000, s0;
	[bflag:$0x2] =	sbarrier.arrive $0xFFFF  }
0x65: {  	[sflag:s0] =	ssyncadd.tile.s32 @!p0 $0x1;
	_ =	shalt  }
.Lfunc_end2:
_tile_overlayer_lowered:
.L_overlay_start_2:
0x66: {  	(tag) =	ssettag $0x2  }
0x67: {  	s0 =	rddreg [dreg:$0x0];
	s2 =	stileid.u32  }
0x68: {  	s1 =	rddreg [dreg:$0x1];
	p0 =	sne.s32 s2, $0x0  }
0x69: {  	s3 =	rddreg [dreg:$0x2];
	[bflag:$0x3] =	sbarrier.arrive $0xFFFF;
	s2 =	simm.s32 @!p0 $0x1C02  }
0x6a: {  	[timem:s3], [sflag:s2] =	dma.local @!p0 [hbm:s0], s1  }
0x6b: {  	s0 =	simm.s32 @!p0 $0x2  }
0x6c: {  	_ =	swait.ge @!p0 [sflag:s0], s1  }
0x6d: {  	s1 =	ssub.s32 @!p0 $0x0, s1;
	[sflag:s0] =	ssyncset.done @!p0 $0x0  }
0x6e: {  	[sflag:s0] =	ssyncadd.s32 @!p0 s1  }
0x6f: {  	[bflag:$0x3] =	sbarrier.arrive $0xFFFF  }
0x70: {  	_ =	shalt  }

</sc_bundles>
